<compile_context>
chip_gen: v7x
topology: tpu7x:2x2x1
jax: 0.10.2.dev20260603
libtpu: 0.0.44.dev20260713+nightly
codegen_flags: <defaults>
</compile_context>

<pallas_src>
import functools

import jax
import jax.numpy as jnp
from jax import lax
from jax.experimental import pallas as pl
from jax.experimental.pallas import tpu as pltpu
from jax.experimental.pallas import tpu_sc as plsc

_N = 10000
_E = 320000
_D = 128
_H = 128
_OUT = 4

_NC = 2
_NS = 16
_NW = _NC * _NS
_CH = 128
_NSTEP = 80
_EPT = _NSTEP * _CH
_EPAD = _EPT * _NW
_ZPT = 632
_AROWS = _ZPT * _NS


def _sc_mesh():
    return plsc.VectorSubcoreMesh(core_axis_name="c", subcore_axis_name="s")


@functools.partial(
    pl.kernel,
    out_type=jax.ShapeDtypeStruct((_NC, _AROWS, _H), jnp.float32),
    mesh=_sc_mesh(),
    scratch_types=[
        pltpu.VMEM((_CH,), jnp.int32),
        pltpu.VMEM((_CH,), jnp.int32),
        pltpu.VMEM((_CH, _H), jnp.float32),
        pltpu.VMEM_SHARED((_AROWS, _H), jnp.float32),
        pltpu.SemaphoreType.DMA,
        pltpu.SemaphoreType.DMA,
    ],
)
def _sc_deg(dst_hbm, ones_hbm, zer_hbm, out_hbm,
            dst0, dst1, ones_v, acc_sh, sem0, sem1):
    cid = lax.axis_index("c")
    sid = lax.axis_index("s")
    wid = cid * _NS + sid
    base0 = wid * _EPT
    dsts = (dst0, dst1)
    sems = (sem0, sem1)
    pltpu.sync_copy(zer_hbm.at[pl.ds(sid * _ZPT, _ZPT)],
                    acc_sh.at[pl.ds(sid * _ZPT, _ZPT)])
    pltpu.sync_copy(ones_hbm, ones_v)
    for b in range(2):
        pltpu.async_copy(dst_hbm.at[pl.ds(base0 + b * _CH, _CH)],
                         dsts[b], sems[b])
    plsc.subcore_barrier()

    def pair(kk, c):
        for b in range(2):
            nxt = base0 + (kk * 2 + b + 2) * _CH
            pltpu.make_async_copy(dst_hbm.at[pl.ds(base0, _CH)],
                                  dsts[b], sems[b]).wait()
            pltpu.sync_copy(ones_v, acc_sh.at[dsts[b]], add=True)
            pltpu.async_copy(dst_hbm.at[pl.ds(nxt, _CH)], dsts[b], sems[b])
        return c

    lax.fori_loop(0, _NSTEP // 2 - 1, pair, 0)
    for b in range(2):
        pltpu.make_async_copy(dst_hbm.at[pl.ds(base0, _CH)],
                              dsts[b], sems[b]).wait()
        pltpu.sync_copy(ones_v, acc_sh.at[dsts[b]], add=True)
    plsc.subcore_barrier()
    pltpu.sync_copy(acc_sh.at[pl.ds(sid * _ZPT, _ZPT)],
                    out_hbm.at[cid, pl.ds(sid * _ZPT, _ZPT)])


@functools.partial(
    pl.kernel,
    out_type=jax.ShapeDtypeStruct((_NC, _AROWS, _H), jnp.float32),
    mesh=_sc_mesh(),
    scratch_types=[
        pltpu.VMEM((_CH,), jnp.int32),
        pltpu.VMEM((_CH,), jnp.int32),
        pltpu.VMEM((_CH,), jnp.int32),
        pltpu.VMEM((_CH,), jnp.int32),
        pltpu.VMEM((_CH, _H), jnp.float32),
        pltpu.VMEM((_CH, _H), jnp.float32),
        pltpu.VMEM_SHARED((_AROWS, _H), jnp.float32),
        pltpu.SemaphoreType.DMA,
        pltpu.SemaphoreType.DMA,
    ],
)
def _sc_agg(y_hbm, src_hbm, dst_hbm, zer_hbm, out_hbm,
            src0, src1, dst0, dst1, rows0, rows1, acc_sh, sem0, sem1):
    cid = lax.axis_index("c")
    sid = lax.axis_index("s")
    wid = sid * _NC + cid
    base0 = wid * _EPT
    srcs = (src0, src1)
    dsts = (dst0, dst1)
    rows = (rows0, rows1)
    sems = (sem0, sem1)
    pltpu.sync_copy(zer_hbm.at[pl.ds(sid * _ZPT, _ZPT)],
                    acc_sh.at[pl.ds(sid * _ZPT, _ZPT)])
    for b in range(2):
        pltpu.sync_copy(src_hbm.at[pl.ds(base0 + b * _CH, _CH)], srcs[b])
        pltpu.sync_copy(dst_hbm.at[pl.ds(base0 + b * _CH, _CH)], dsts[b])
        pltpu.async_copy(y_hbm.at[srcs[b]], rows[b], sems[b])
    plsc.subcore_barrier()

    def pair(kk, c):
        for b in range(2):
            nxt = base0 + (kk * 2 + b + 2) * _CH
            pltpu.make_async_copy(y_hbm.at[srcs[b]], rows[b], sems[b]).wait()
            pltpu.sync_copy(rows[b], acc_sh.at[dsts[b]], add=True)
            pltpu.sync_copy(src_hbm.at[pl.ds(nxt, _CH)], srcs[b])
            pltpu.sync_copy(dst_hbm.at[pl.ds(nxt, _CH)], dsts[b])
            pltpu.async_copy(y_hbm.at[srcs[b]], rows[b], sems[b])
        return c

    lax.fori_loop(0, _NSTEP // 2 - 1, pair, 0)
    for b in range(2):
        pltpu.make_async_copy(y_hbm.at[srcs[b]], rows[b], sems[b]).wait()
        pltpu.sync_copy(rows[b], acc_sh.at[dsts[b]], add=True)
    plsc.subcore_barrier()
    pltpu.sync_copy(acc_sh.at[pl.ds(sid * _ZPT, _ZPT)],
                    out_hbm.at[cid, pl.ds(sid * _ZPT, _ZPT)])


_R = 2000
_G = _N // _R


def _mm1_body(x_ref, w_ref, dp_ref, y_ref, dv_ref):
    dinv = lax.rsqrt(dp_ref[0, :, 0:1] + dp_ref[1, :, 0:1] + 1.0)
    dv_ref[...] = dinv
    xw = jnp.dot(x_ref[...], w_ref[...], preferred_element_type=jnp.float32)
    y_ref[...] = xw * dinv


def _mid_body(p_ref, y_ref, dv_ref, b_ref, w_ref, o_ref):
    dinv = dv_ref[...]
    h = jnp.maximum((p_ref[0] + p_ref[1] + y_ref[...]) * dinv + b_ref[...], 0.0)
    o_ref[...] = jnp.dot(h, w_ref[...], preferred_element_type=jnp.float32) * dinv


def _fin_body(p_ref, y_ref, dv_ref, b2_ref, imp_ref, wp1_ref, bp1_ref,
              wp2_ref, bp2_ref, wch_ref, wcx_ref, bc_ref, o_ref):
    dinv = dv_ref[...]
    h2 = jnp.maximum((p_ref[0] + p_ref[1] + y_ref[...]) * dinv + b2_ref[...], 0.0)
    xi = jnp.maximum(imp_ref[...] * wp1_ref[...] + bp1_ref[...], 0.0)
    xi = jnp.dot(xi, wp2_ref[...], preferred_element_type=jnp.float32) + bp2_ref[...]
    logits = (jnp.dot(h2, wch_ref[...], preferred_element_type=jnp.float32)
              + jnp.dot(xi, wcx_ref[...], preferred_element_type=jnp.float32)
              + bc_ref[...])
    m = jnp.max(logits, axis=1, keepdims=True)
    s = jnp.sum(jnp.exp(logits - m), axis=1, keepdims=True)
    o_ref[...] = logits - m - jnp.log(s)


_mm1 = pl.pallas_call(
    _mm1_body,
    grid=(_G,),
    in_specs=[
        pl.BlockSpec((_R, _D), lambda i: (i, 0)),
        pl.BlockSpec((_D, _H), lambda i: (0, 0)),
        pl.BlockSpec((_NC, _R, _H), lambda i: (0, i, 0)),
    ],
    out_specs=(pl.BlockSpec((_R, _H), lambda i: (i, 0)),
               pl.BlockSpec((_R, 1), lambda i: (i, 0))),
    out_shape=(jax.ShapeDtypeStruct((_N, _H), jnp.float32),
               jax.ShapeDtypeStruct((_N, 1), jnp.float32)),
)

_mid = pl.pallas_call(
    _mid_body,
    grid=(_G,),
    in_specs=[
        pl.BlockSpec((_NC, _R, _H), lambda i: (0, i, 0)),
        pl.BlockSpec((_R, _H), lambda i: (i, 0)),
        pl.BlockSpec((_R, 1), lambda i: (i, 0)),
        pl.BlockSpec((1, _H), lambda i: (0, 0)),
        pl.BlockSpec((_H, _H), lambda i: (0, 0)),
    ],
    out_specs=pl.BlockSpec((_R, _H), lambda i: (i, 0)),
    out_shape=jax.ShapeDtypeStruct((_N, _H), jnp.float32),
)

_fin = pl.pallas_call(
    _fin_body,
    grid=(_G,),
    in_specs=[
        pl.BlockSpec((_NC, _R, _H), lambda i: (0, i, 0)),
        pl.BlockSpec((_R, _H), lambda i: (i, 0)),
        pl.BlockSpec((_R, 1), lambda i: (i, 0)),
        pl.BlockSpec((1, _H), lambda i: (0, 0)),
        pl.BlockSpec((_R, 1), lambda i: (i, 0)),
        pl.BlockSpec((1, _H), lambda i: (0, 0)),
        pl.BlockSpec((1, _H), lambda i: (0, 0)),
        pl.BlockSpec((_H, _H), lambda i: (0, 0)),
        pl.BlockSpec((1, _H), lambda i: (0, 0)),
        pl.BlockSpec((_H, _OUT), lambda i: (0, 0)),
        pl.BlockSpec((_H, _OUT), lambda i: (0, 0)),
        pl.BlockSpec((1, _OUT), lambda i: (0, 0)),
    ],
    out_specs=pl.BlockSpec((_R, _OUT), lambda i: (i, 0)),
    out_shape=jax.ShapeDtypeStruct((_N, _OUT), jnp.float32),
)


def kernel(x, edge_index, W1, b1, W2, b2, Wp1, bp1, Wp2, bp2, Wc, bc):
    pad = _EPAD - _E
    src_p = jnp.concatenate([edge_index[0], jnp.zeros((pad,), jnp.int32)])
    dst_p = jnp.concatenate([edge_index[1], jnp.full((pad,), _N, jnp.int32)])
    ones128 = jnp.ones((_CH, _H), jnp.float32)
    zer128 = jnp.zeros((_AROWS, _H), jnp.float32)

    degp = _sc_deg(dst_p, ones128, zer128)
    y1, dinv = _mm1(x, W1, degp)
    p1 = _sc_agg(y1, src_p, dst_p, zer128)
    y2 = _mid(p1, y1, dinv, b1.reshape(1, -1), W2)
    p2 = _sc_agg(y2, src_p, dst_p, zer128)
    return _fin(p2, y2, dinv, b2.reshape(1, -1), x[:, _D - 1:_D],
                Wp1, bp1.reshape(1, -1), Wp2, bp2.reshape(1, -1),
                Wc[:_H], Wc[_H:], bc.reshape(1, -1))

# --- scband reference (transcript-rebuilt; emitter-appended) ---
"""Pipeline reference for scband-risk-prediction-gnn-1700807050070 (READ-ONLY COPY).

The authoritative reference and input builder live on the scoring server;
editing this copy changes nothing except your own understanding.
"""

import jax, jax.numpy as jnp
import numpy as np

N = 10000
E = 320000
D = 128
H = 128
OUT = 4


def setup_inputs(seed: int = 0) -> dict:
    key = jax.random.key(seed)
    ks = jax.random.split(key, 14)
    x = jax.random.normal(ks[0], (N, D), dtype=jnp.float32)
    edge_index = jax.random.randint(ks[1], (2, E), 0, N, dtype=jnp.int32)
    W1 = jax.random.normal(ks[2], (D, H), dtype=jnp.float32) * 0.05
    b1 = jnp.zeros((H,), dtype=jnp.float32)
    W2 = jax.random.normal(ks[3], (H, H), dtype=jnp.float32) * 0.05
    b2 = jnp.zeros((H,), dtype=jnp.float32)
    Wp1 = jax.random.normal(ks[4], (1, H), dtype=jnp.float32) * 0.05
    bp1 = jnp.zeros((H,), dtype=jnp.float32)
    Wp2 = jax.random.normal(ks[5], (H, H), dtype=jnp.float32) * 0.05
    bp2 = jnp.zeros((H,), dtype=jnp.float32)
    Wc = jax.random.normal(ks[6], (2 * H, OUT), dtype=jnp.float32) * 0.05
    bc = jnp.zeros((OUT,), dtype=jnp.float32)
    return {"x": x, "edge_index": edge_index, "W1": W1, "b1": b1, "W2": W2, "b2": b2,
            "Wp1": Wp1, "bp1": bp1, "Wp2": Wp2, "bp2": bp2, "Wc": Wc, "bc": bc}


def gcn_conv(x, edge_index, W, b, num_nodes):
    # PyG GCNConv: x' = D^{-1/2} (A + I) D^{-1/2} x W + b
    xw = x @ W
    src = edge_index[0]
    dst = edge_index[1]
    loop = jnp.arange(num_nodes, dtype=src.dtype)
    src = jnp.concatenate([src, loop])
    dst = jnp.concatenate([dst, loop])
    deg = jnp.zeros((num_nodes,), dtype=xw.dtype).at[dst].add(1.0)
    deg_inv_sqrt = jnp.where(deg > 0, deg ** -0.5, 0.0)
    norm = deg_inv_sqrt[src] * deg_inv_sqrt[dst]
    msg = jnp.take(xw, src, axis=0) * norm[:, None]
    out = jnp.zeros_like(xw).at[dst].add(msg)
    return out + b


def reference(x, edge_index, W1, b1, W2, b2, Wp1, bp1, Wp2, bp2, Wc, bc):
    num_nodes = x.shape[0]
    h = gcn_conv(x, edge_index, W1, b1, num_nodes)
    h = jax.nn.relu(h)
    h = gcn_conv(h, edge_index, W2, b2, num_nodes)
    h = jax.nn.relu(h)
    impact = x[:, -1].reshape(-1, 1)
    xi = jax.nn.relu(impact @ Wp1 + bp1)
    xi = xi @ Wp2 + bp2
    comb = jnp.concatenate([h, xi], axis=1)
    logits = comb @ Wc + bc
    return jax.nn.log_softmax(logits, axis=1)

if __name__ == "__main__":
    import jax
    _d = setup_inputs()
    print(jax.jit(kernel)(*tuple(_d.values())))

</pallas_src>

<mosaic_0001>
#map = affine_map<(d0, d1) -> (0)>
#map1 = affine_map<(d0, d1) -> (0, 0)>
#map2 = affine_map<(d0, d1) -> (0, 0, 0)>
module attributes {stable_mosaic.version = 14 : i64} {
  func.func @_sc_deg(%arg0: i32, %arg1: i32, %arg2: memref<327680xi32, #tpu.memory_space<hbm>>, %arg3: memref<128x128xf32, #tpu.memory_space<hbm>>, %arg4: memref<10112x128xf32, #tpu.memory_space<hbm>>, %arg5: memref<2x10112x128xf32, #tpu.memory_space<hbm>>, %arg6: memref<128xi32, #tpu.memory_space<vmem>>, %arg7: memref<128xi32, #tpu.memory_space<vmem>>, %arg8: memref<128x128xf32, #tpu.memory_space<vmem>>, %arg9: memref<10112x128xf32, #tpu.memory_space<vmem_shared>>, %arg10: memref<!tpu.dma_semaphore, #tpu.memory_space<semaphore_mem>>, %arg11: memref<!tpu.dma_semaphore, #tpu.memory_space<semaphore_mem>>) attributes {dimension_semantics = [#tpu.dimension_semantics<core_parallel>, #tpu.dimension_semantics<subcore_parallel>], iteration_bounds = array<i64: 2, 16>, scalar_prefetch = 0 : i64, scratch_operands = 6 : i64, tpu.core_type = #tpu.core_type<sc_vector_subcore>, window_params = [{transform_indices = #map}, {transform_indices = #map1}, {transform_indices = #map1}, {transform_indices = #map2}]} {
    %mul3A = arith.constant 16 : i32
    %mul3A_0 = arith.muli %arg0, %mul3A : i32
    %add3A = arith.addi %mul3A_0, %arg1 : i32
    %mul3A_1 = arith.constant 10240 : i32
    %mul3A_2 = arith.muli %add3A, %mul3A_1 : i32
    %mul3A_3 = arith.constant 632 : i32
    %mul3A_4 = arith.muli %arg1, %mul3A_3 : i32
    %mul3A_5 = arith.constant 632 : i32
    %mul3A_6 = arith.muli %arg1, %mul3A_5 : i32
    "tpu.region"() ({
      %run_scoped3A = tpu.sem_alloc : memref<!tpu.dma_semaphore, #tpu.memory_space<semaphore_mem>>
      %dma_start3A_27 = arith.constant 0 : i32
      %dma_start3A_28 = tpu.memref_slice %arg9[%mul3A_6, %dma_start3A_27] : memref<10112x128xf32, #tpu.memory_space<vmem_shared>> -> memref<632x128xf32, #tpu.memory_space<vmem_shared>>
      %dma_start3A_29 = arith.constant 0 : i32
      %dma_start3A_30 = tpu.memref_slice %arg4[%mul3A_4, %dma_start3A_29] : memref<10112x128xf32, #tpu.memory_space<hbm>> -> memref<632x128xf32, #tpu.memory_space<hbm>>
      tpu.enqueue_dma source(%dma_start3A_30 : memref<632x128xf32, #tpu.memory_space<hbm>>) target(%dma_start3A_28 : memref<632x128xf32, #tpu.memory_space<vmem_shared>>) target_semaphore(%run_scoped3A : memref<!tpu.dma_semaphore, #tpu.memory_space<semaphore_mem>>)
      %dma_wait3A_31 = arith.constant 0 : i32
      %dma_wait3A_32 = tpu.memref_slice %arg9[%mul3A_6, %dma_wait3A_31] : memref<10112x128xf32, #tpu.memory_space<vmem_shared>> -> memref<632x128xf32, #tpu.memory_space<vmem_shared>>
      %dma_wait3A_33 = arith.constant 0 : i32
      %dma_wait3A_34 = tpu.memref_slice %arg4[%mul3A_4, %dma_wait3A_33] : memref<10112x128xf32, #tpu.memory_space<hbm>> -> memref<632x128xf32, #tpu.memory_space<hbm>>
      tpu.wait_dma2 semaphore(%run_scoped3A : memref<!tpu.dma_semaphore, #tpu.memory_space<semaphore_mem>>) src(%dma_wait3A_34 : memref<632x128xf32, #tpu.memory_space<hbm>>) dst(%dma_wait3A_32 : memref<632x128xf32, #tpu.memory_space<vmem_shared>>)
      tpu.yield
    }) : () -> ()
    "tpu.region"() ({
      %run_scoped3A = tpu.sem_alloc : memref<!tpu.dma_semaphore, #tpu.memory_space<semaphore_mem>>
      tpu.enqueue_dma source(%arg3 : memref<128x128xf32, #tpu.memory_space<hbm>>) target(%arg8 : memref<128x128xf32, #tpu.memory_space<vmem>>) target_semaphore(%run_scoped3A : memref<!tpu.dma_semaphore, #tpu.memory_space<semaphore_mem>>)
      tpu.wait_dma2 semaphore(%run_scoped3A : memref<!tpu.dma_semaphore, #tpu.memory_space<semaphore_mem>>) src(%arg3 : memref<128x128xf32, #tpu.memory_space<hbm>>) dst(%arg8 : memref<128x128xf32, #tpu.memory_space<vmem>>)
      tpu.yield
    }) : () -> ()
    %add3A_7 = arith.constant 0 : i32
    %add3A_8 = arith.addi %mul3A_2, %add3A_7 : i32
    %dma_start3A = tpu.memref_slice %arg2[%add3A_8] : memref<327680xi32, #tpu.memory_space<hbm>> -> memref<128xi32, #tpu.memory_space<hbm>>
    %dma_start3A_9 = tpu.memref_slice %arg2[%add3A_8] : memref<327680xi32, #tpu.memory_space<hbm>> -> memref<128xi32, #tpu.memory_space<hbm>>
    tpu.enqueue_dma source(%dma_start3A_9 : memref<128xi32, #tpu.memory_space<hbm>>) target(%arg6 : memref<128xi32, #tpu.memory_space<vmem>>) target_semaphore(%arg10 : memref<!tpu.dma_semaphore, #tpu.memory_space<semaphore_mem>>)
    %add3A_10 = arith.constant 128 : i32
    %add3A_11 = arith.addi %mul3A_2, %add3A_10 : i32
    %dma_start3A_12 = tpu.memref_slice %arg2[%add3A_11] : memref<327680xi32, #tpu.memory_space<hbm>> -> memref<128xi32, #tpu.memory_space<hbm>>
    %dma_start3A_13 = tpu.memref_slice %arg2[%add3A_11] : memref<327680xi32, #tpu.memory_space<hbm>> -> memref<128xi32, #tpu.memory_space<hbm>>
    tpu.enqueue_dma source(%dma_start3A_13 : memref<128xi32, #tpu.memory_space<hbm>>) target(%arg7 : memref<128xi32, #tpu.memory_space<vmem>>) target_semaphore(%arg11 : memref<!tpu.dma_semaphore, #tpu.memory_space<semaphore_mem>>)
    %barrier3A = arith.constant 0 : index
    tpu.barrier barrier_id(%barrier3A)
    %scan3A = arith.constant 0 : i32
    %scan3A_14 = arith.constant 0 : i32
    %scan3A_15 = arith.constant 39 : i32
    %scan3A_16 = arith.addi %scan3A_14, %scan3A_15 : i32
    %scan3A_17 = arith.constant 1 : i32
    scf.for %scan3A_27 = %scan3A_14 to %scan3A_16 step %scan3A_17  : i32 {
      %mul3A_28 = arith.constant 2 : i32
      %mul3A_29 = arith.muli %scan3A_27, %mul3A_28 : i32
      %add3A_30 = arith.constant 0 : i32
      %add3A_31 = arith.addi %mul3A_29, %add3A_30 : i32
      %add3A_32 = arith.constant 2 : i32
      %add3A_33 = arith.addi %add3A_31, %add3A_32 : i32
      %mul3A_34 = arith.constant 128 : i32
      %mul3A_35 = arith.muli %add3A_33, %mul3A_34 : i32
      %add3A_36 = arith.addi %mul3A_2, %mul3A_35 : i32
      %dma_wait3A_37 = tpu.memref_slice %arg2[%mul3A_2] : memref<327680xi32, #tpu.memory_space<hbm>> -> memref<128xi32, #tpu.memory_space<hbm>>
      %dma_wait3A_38 = tpu.memref_slice %arg2[%mul3A_2] : memref<327680xi32, #tpu.memory_space<hbm>> -> memref<128xi32, #tpu.memory_space<hbm>>
      tpu.wait_dma2 semaphore(%arg10 : memref<!tpu.dma_semaphore, #tpu.memory_space<semaphore_mem>>) src(%dma_wait3A_38 : memref<128xi32, #tpu.memory_space<hbm>>) dst(%arg6 : memref<128xi32, #tpu.memory_space<vmem>>)
      "tpu.region"() ({
        %run_scoped3A = tpu.sem_alloc : memref<!tpu.dma_semaphore, #tpu.memory_space<semaphore_mem>>
        %dma_start3A_54 = arith.constant 0 : i32
        %dma_start3A_55 = arith.constant 0 : i32
        %dma_start3A_56 = tpu.memref_slice %arg9[%dma_start3A_54, %dma_start3A_55] : memref<10112x128xf32, #tpu.memory_space<vmem_shared>> -> memref<10112x128xf32, #tpu.memory_space<vmem_shared>>
        tpu.enqueue_indirect_dma source(%arg8 : memref<128x128xf32, #tpu.memory_space<vmem>>) target(%dma_start3A_56 : memref<10112x128xf32, #tpu.memory_space<vmem_shared>>) offsets(%arg6 : memref<128xi32, #tpu.memory_space<vmem>>) semaphore(%run_scoped3A : memref<!tpu.dma_semaphore, #tpu.memory_space<semaphore_mem>>) {add = true}
        %dma_wait3A_57 = arith.constant 0 : i32
        %dma_wait3A_58 = arith.constant 0 : i32
        %dma_wait3A_59 = tpu.memref_slice %arg9[%dma_wait3A_57, %dma_wait3A_58] : memref<10112x128xf32, #tpu.memory_space<vmem_shared>> -> memref<10112x128xf32, #tpu.memory_space<vmem_shared>>
        tpu.wait_indirect_dma semaphore(%run_scoped3A : memref<!tpu.dma_semaphore, #tpu.memory_space<semaphore_mem>>) src(%arg8 : memref<128x128xf32, #tpu.memory_space<vmem>>) dst(%dma_wait3A_59 : memref<10112x128xf32, #tpu.memory_space<vmem_shared>>)
        tpu.yield
      }) : () -> ()
      %dma_start3A_39 = tpu.memref_slice %arg2[%add3A_36] : memref<327680xi32, #tpu.memory_space<hbm>> -> memref<128xi32, #tpu.memory_space<hbm>>
      %dma_start3A_40 = tpu.memref_slice %arg2[%add3A_36] : memref<327680xi32, #tpu.memory_space<hbm>> -> memref<128xi32, #tpu.memory_space<hbm>>
      tpu.enqueue_dma source(%dma_start3A_40 : memref<128xi32, #tpu.memory_space<hbm>>) target(%arg6 : memref<128xi32, #tpu.memory_space<vmem>>) target_semaphore(%arg10 : memref<!tpu.dma_semaphore, #tpu.memory_space<semaphore_mem>>)
      %mul3A_41 = arith.constant 2 : i32
      %mul3A_42 = arith.muli %scan3A_27, %mul3A_41 : i32
      %add3A_43 = arith.constant 1 : i32
      %add3A_44 = arith.addi %mul3A_42, %add3A_43 : i32
      %add3A_45 = arith.constant 2 : i32
      %add3A_46 = arith.addi %add3A_44, %add3A_45 : i32
      %mul3A_47 = arith.constant 128 : i32
      %mul3A_48 = arith.muli %add3A_46, %mul3A_47 : i32
      %add3A_49 = arith.addi %mul3A_2, %mul3A_48 : i32
      %dma_wait3A_50 = tpu.memref_slice %arg2[%mul3A_2] : memref<327680xi32, #tpu.memory_space<hbm>> -> memref<128xi32, #tpu.memory_space<hbm>>
      %dma_wait3A_51 = tpu.memref_slice %arg2[%mul3A_2] : memref<327680xi32, #tpu.memory_space<hbm>> -> memref<128xi32, #tpu.memory_space<hbm>>
      tpu.wait_dma2 semaphore(%arg11 : memref<!tpu.dma_semaphore, #tpu.memory_space<semaphore_mem>>) src(%dma_wait3A_51 : memref<128xi32, #tpu.memory_space<hbm>>) dst(%arg7 : memref<128xi32, #tpu.memory_space<vmem>>)
      "tpu.region"() ({
        %run_scoped3A = tpu.sem_alloc : memref<!tpu.dma_semaphore, #tpu.memory_space<semaphore_mem>>
        %dma_start3A_54 = arith.constant 0 : i32
        %dma_start3A_55 = arith.constant 0 : i32
        %dma_start3A_56 = tpu.memref_slice %arg9[%dma_start3A_54, %dma_start3A_55] : memref<10112x128xf32, #tpu.memory_space<vmem_shared>> -> memref<10112x128xf32, #tpu.memory_space<vmem_shared>>
        tpu.enqueue_indirect_dma source(%arg8 : memref<128x128xf32, #tpu.memory_space<vmem>>) target(%dma_start3A_56 : memref<10112x128xf32, #tpu.memory_space<vmem_shared>>) offsets(%arg7 : memref<128xi32, #tpu.memory_space<vmem>>) semaphore(%run_scoped3A : memref<!tpu.dma_semaphore, #tpu.memory_space<semaphore_mem>>) {add = true}
        %dma_wait3A_57 = arith.constant 0 : i32
        %dma_wait3A_58 = arith.constant 0 : i32
        %dma_wait3A_59 = tpu.memref_slice %arg9[%dma_wait3A_57, %dma_wait3A_58] : memref<10112x128xf32, #tpu.memory_space<vmem_shared>> -> memref<10112x128xf32, #tpu.memory_space<vmem_shared>>
        tpu.wait_indirect_dma semaphore(%run_scoped3A : memref<!tpu.dma_semaphore, #tpu.memory_space<semaphore_mem>>) src(%arg8 : memref<128x128xf32, #tpu.memory_space<vmem>>) dst(%dma_wait3A_59 : memref<10112x128xf32, #tpu.memory_space<vmem_shared>>)
        tpu.yield
      }) : () -> ()
      %dma_start3A_52 = tpu.memref_slice %arg2[%add3A_49] : memref<327680xi32, #tpu.memory_space<hbm>> -> memref<128xi32, #tpu.memory_space<hbm>>
      %dma_start3A_53 = tpu.memref_slice %arg2[%add3A_49] : memref<327680xi32, #tpu.memory_space<hbm>> -> memref<128xi32, #tpu.memory_space<hbm>>
      tpu.enqueue_dma source(%dma_start3A_53 : memref<128xi32, #tpu.memory_space<hbm>>) target(%arg7 : memref<128xi32, #tpu.memory_space<vmem>>) target_semaphore(%arg11 : memref<!tpu.dma_semaphore, #tpu.memory_space<semaphore_mem>>)
    }
    %scan3A_18 = arith.constant 39 : i32
    %dma_wait3A = tpu.memref_slice %arg2[%mul3A_2] : memref<327680xi32, #tpu.memory_space<hbm>> -> memref<128xi32, #tpu.memory_space<hbm>>
    %dma_wait3A_19 = tpu.memref_slice %arg2[%mul3A_2] : memref<327680xi32, #tpu.memory_space<hbm>> -> memref<128xi32, #tpu.memory_space<hbm>>
    tpu.wait_dma2 semaphore(%arg10 : memref<!tpu.dma_semaphore, #tpu.memory_space<semaphore_mem>>) src(%dma_wait3A_19 : memref<128xi32, #tpu.memory_space<hbm>>) dst(%arg6 : memref<128xi32, #tpu.memory_space<vmem>>)
    "tpu.region"() ({
      %run_scoped3A = tpu.sem_alloc : memref<!tpu.dma_semaphore, #tpu.memory_space<semaphore_mem>>
      %dma_start3A_27 = arith.constant 0 : i32
      %dma_start3A_28 = arith.constant 0 : i32
      %dma_start3A_29 = tpu.memref_slice %arg9[%dma_start3A_27, %dma_start3A_28] : memref<10112x128xf32, #tpu.memory_space<vmem_shared>> -> memref<10112x128xf32, #tpu.memory_space<vmem_shared>>
      tpu.enqueue_indirect_dma source(%arg8 : memref<128x128xf32, #tpu.memory_space<vmem>>) target(%dma_start3A_29 : memref<10112x128xf32, #tpu.memory_space<vmem_shared>>) offsets(%arg6 : memref<128xi32, #tpu.memory_space<vmem>>) semaphore(%run_scoped3A : memref<!tpu.dma_semaphore, #tpu.memory_space<semaphore_mem>>) {add = true}
      %dma_wait3A_30 = arith.constant 0 : i32
      %dma_wait3A_31 = arith.constant 0 : i32
      %dma_wait3A_32 = tpu.memref_slice %arg9[%dma_wait3A_30, %dma_wait3A_31] : memref<10112x128xf32, #tpu.memory_space<vmem_shared>> -> memref<10112x128xf32, #tpu.memory_space<vmem_shared>>
      tpu.wait_indirect_dma semaphore(%run_scoped3A : memref<!tpu.dma_semaphore, #tpu.memory_space<semaphore_mem>>) src(%arg8 : memref<128x128xf32, #tpu.memory_space<vmem>>) dst(%dma_wait3A_32 : memref<10112x128xf32, #tpu.memory_space<vmem_shared>>)
      tpu.yield
    }) : () -> ()
    %dma_wait3A_20 = tpu.memref_slice %arg2[%mul3A_2] : memref<327680xi32, #tpu.memory_space<hbm>> -> memref<128xi32, #tpu.memory_space<hbm>>
    %dma_wait3A_21 = tpu.memref_slice %arg2[%mul3A_2] : memref<327680xi32, #tpu.memory_space<hbm>> -> memref<128xi32, #tpu.memory_space<hbm>>
    tpu.wait_dma2 semaphore(%arg11 : memref<!tpu.dma_semaphore, #tpu.memory_space<semaphore_mem>>) src(%dma_wait3A_21 : memref<128xi32, #tpu.memory_space<hbm>>) dst(%arg7 : memref<128xi32, #tpu.memory_space<vmem>>)
    "tpu.region"() ({
      %run_scoped3A = tpu.sem_alloc : memref<!tpu.dma_semaphore, #tpu.memory_space<semaphore_mem>>
      %dma_start3A_27 = arith.constant 0 : i32
      %dma_start3A_28 = arith.constant 0 : i32
      %dma_start3A_29 = tpu.memref_slice %arg9[%dma_start3A_27, %dma_start3A_28] : memref<10112x128xf32, #tpu.memory_space<vmem_shared>> -> memref<10112x128xf32, #tpu.memory_space<vmem_shared>>
      tpu.enqueue_indirect_dma source(%arg8 : memref<128x128xf32, #tpu.memory_space<vmem>>) target(%dma_start3A_29 : memref<10112x128xf32, #tpu.memory_space<vmem_shared>>) offsets(%arg7 : memref<128xi32, #tpu.memory_space<vmem>>) semaphore(%run_scoped3A : memref<!tpu.dma_semaphore, #tpu.memory_space<semaphore_mem>>) {add = true}
      %dma_wait3A_30 = arith.constant 0 : i32
      %dma_wait3A_31 = arith.constant 0 : i32
      %dma_wait3A_32 = tpu.memref_slice %arg9[%dma_wait3A_30, %dma_wait3A_31] : memref<10112x128xf32, #tpu.memory_space<vmem_shared>> -> memref<10112x128xf32, #tpu.memory_space<vmem_shared>>
      tpu.wait_indirect_dma semaphore(%run_scoped3A : memref<!tpu.dma_semaphore, #tpu.memory_space<semaphore_mem>>) src(%arg8 : memref<128x128xf32, #tpu.memory_space<vmem>>) dst(%dma_wait3A_32 : memref<10112x128xf32, #tpu.memory_space<vmem_shared>>)
      tpu.yield
    }) : () -> ()
    %barrier3A_22 = arith.constant 0 : index
    tpu.barrier barrier_id(%barrier3A_22)
    %mul3A_23 = arith.constant 632 : i32
    %mul3A_24 = arith.muli %arg1, %mul3A_23 : i32
    %mul3A_25 = arith.constant 632 : i32
    %mul3A_26 = arith.muli %arg1, %mul3A_25 : i32
    "tpu.region"() ({
      %run_scoped3A = tpu.sem_alloc : memref<!tpu.dma_semaphore, #tpu.memory_space<semaphore_mem>>
      %dma_start3A_27 = arith.constant 0 : i32
      %dma_start3A_28 = tpu.memref_slice %arg5[%arg0, %mul3A_26, %dma_start3A_27] : memref<2x10112x128xf32, #tpu.memory_space<hbm>> -> memref<1x632x128xf32, #tpu.memory_space<hbm>>
      %dma_start3A_29 = tpu.memref_squeeze %dma_start3A_28 : memref<1x632x128xf32, #tpu.memory_space<hbm>> -> memref<632x128xf32, #tpu.memory_space<hbm>>
      %dma_start3A_30 = arith.constant 0 : i32
      %dma_start3A_31 = tpu.memref_slice %arg9[%mul3A_24, %dma_start3A_30] : memref<10112x128xf32, #tpu.memory_space<vmem_shared>> -> memref<632x128xf32, #tpu.memory_space<vmem_shared>>
      tpu.enqueue_dma source(%dma_start3A_31 : memref<632x128xf32, #tpu.memory_space<vmem_shared>>) target(%dma_start3A_29 : memref<632x128xf32, #tpu.memory_space<hbm>>) target_semaphore(%run_scoped3A : memref<!tpu.dma_semaphore, #tpu.memory_space<semaphore_mem>>)
      %dma_wait3A_32 = arith.constant 0 : i32
      %dma_wait3A_33 = tpu.memref_slice %arg5[%arg0, %mul3A_26, %dma_wait3A_32] : memref<2x10112x128xf32, #tpu.memory_space<hbm>> -> memref<1x632x128xf32, #tpu.memory_space<hbm>>
      %dma_wait3A_34 = tpu.memref_squeeze %dma_wait3A_33 : memref<1x632x128xf32, #tpu.memory_space<hbm>> -> memref<632x128xf32, #tpu.memory_space<hbm>>
      %dma_wait3A_35 = arith.constant 0 : i32
      %dma_wait3A_36 = tpu.memref_slice %arg9[%mul3A_24, %dma_wait3A_35] : memref<10112x128xf32, #tpu.memory_space<vmem_shared>> -> memref<632x128xf32, #tpu.memory_space<vmem_shared>>
      tpu.wait_dma2 semaphore(%run_scoped3A : memref<!tpu.dma_semaphore, #tpu.memory_space<semaphore_mem>>) src(%dma_wait3A_36 : memref<632x128xf32, #tpu.memory_space<vmem_shared>>) dst(%dma_wait3A_34 : memref<632x128xf32, #tpu.memory_space<hbm>>)
      tpu.yield
    }) : () -> ()
    return
  }
}

#map = affine_map<(d0, d1) -> (0, 0)>
#map1 = affine_map<(d0, d1) -> (0)>
#map2 = affine_map<(d0, d1) -> (0, 0, 0)>
module attributes {stable_mosaic.version = 14 : i64} {
  func.func @_sc_agg(%arg0: i32, %arg1: i32, %arg2: memref<10000x128xf32, #tpu.memory_space<hbm>>, %arg3: memref<327680xi32, #tpu.memory_space<hbm>>, %arg4: memref<327680xi32, #tpu.memory_space<hbm>>, %arg5: memref<10112x128xf32, #tpu.memory_space<hbm>>, %arg6: memref<2x10112x128xf32, #tpu.memory_space<hbm>>, %arg7: memref<128xi32, #tpu.memory_space<vmem>>, %arg8: memref<128xi32, #tpu.memory_space<vmem>>, %arg9: memref<128xi32, #tpu.memory_space<vmem>>, %arg10: memref<128xi32, #tpu.memory_space<vmem>>, %arg11: memref<128x128xf32, #tpu.memory_space<vmem>>, %arg12: memref<128x128xf32, #tpu.memory_space<vmem>>, %arg13: memref<10112x128xf32, #tpu.memory_space<vmem_shared>>, %arg14: memref<!tpu.dma_semaphore, #tpu.memory_space<semaphore_mem>>, %arg15: memref<!tpu.dma_semaphore, #tpu.memory_space<semaphore_mem>>) attributes {dimension_semantics = [#tpu.dimension_semantics<core_parallel>, #tpu.dimension_semantics<subcore_parallel>], iteration_bounds = array<i64: 2, 16>, scalar_prefetch = 0 : i64, scratch_operands = 9 : i64, tpu.core_type = #tpu.core_type<sc_vector_subcore>, window_params = [{transform_indices = #map}, {transform_indices = #map1}, {transform_indices = #map1}, {transform_indices = #map}, {transform_indices = #map2}]} {
    %mul3A = arith.constant 2 : i32
    %mul3A_0 = arith.muli %arg1, %mul3A : i32
    %add3A = arith.addi %mul3A_0, %arg0 : i32
    %mul3A_1 = arith.constant 10240 : i32
    %mul3A_2 = arith.muli %add3A, %mul3A_1 : i32
    %mul3A_3 = arith.constant 632 : i32
    %mul3A_4 = arith.muli %arg1, %mul3A_3 : i32
    %mul3A_5 = arith.constant 632 : i32
    %mul3A_6 = arith.muli %arg1, %mul3A_5 : i32
    "tpu.region"() ({
      %run_scoped3A = tpu.sem_alloc : memref<!tpu.dma_semaphore, #tpu.memory_space<semaphore_mem>>
      %dma_start3A_35 = arith.constant 0 : i32
      %dma_start3A_36 = tpu.memref_slice %arg13[%mul3A_6, %dma_start3A_35] : memref<10112x128xf32, #tpu.memory_space<vmem_shared>> -> memref<632x128xf32, #tpu.memory_space<vmem_shared>>
      %dma_start3A_37 = arith.constant 0 : i32
      %dma_start3A_38 = tpu.memref_slice %arg5[%mul3A_4, %dma_start3A_37] : memref<10112x128xf32, #tpu.memory_space<hbm>> -> memref<632x128xf32, #tpu.memory_space<hbm>>
      tpu.enqueue_dma source(%dma_start3A_38 : memref<632x128xf32, #tpu.memory_space<hbm>>) target(%dma_start3A_36 : memref<632x128xf32, #tpu.memory_space<vmem_shared>>) target_semaphore(%run_scoped3A : memref<!tpu.dma_semaphore, #tpu.memory_space<semaphore_mem>>)
      %dma_wait3A_39 = arith.constant 0 : i32
      %dma_wait3A_40 = tpu.memref_slice %arg13[%mul3A_6, %dma_wait3A_39] : memref<10112x128xf32, #tpu.memory_space<vmem_shared>> -> memref<632x128xf32, #tpu.memory_space<vmem_shared>>
      %dma_wait3A_41 = arith.constant 0 : i32
      %dma_wait3A_42 = tpu.memref_slice %arg5[%mul3A_4, %dma_wait3A_41] : memref<10112x128xf32, #tpu.memory_space<hbm>> -> memref<632x128xf32, #tpu.memory_space<hbm>>
      tpu.wait_dma2 semaphore(%run_scoped3A : memref<!tpu.dma_semaphore, #tpu.memory_space<semaphore_mem>>) src(%dma_wait3A_42 : memref<632x128xf32, #tpu.memory_space<hbm>>) dst(%dma_wait3A_40 : memref<632x128xf32, #tpu.memory_space<vmem_shared>>)
      tpu.yield
    }) : () -> ()
    %add3A_7 = arith.constant 0 : i32
    %add3A_8 = arith.addi %mul3A_2, %add3A_7 : i32
    "tpu.region"() ({
      %run_scoped3A = tpu.sem_alloc : memref<!tpu.dma_semaphore, #tpu.memory_space<semaphore_mem>>
      %dma_start3A_35 = tpu.memref_slice %arg3[%add3A_8] : memref<327680xi32, #tpu.memory_space<hbm>> -> memref<128xi32, #tpu.memory_space<hbm>>
      %dma_start3A_36 = tpu.memref_slice %arg3[%add3A_8] : memref<327680xi32, #tpu.memory_space<hbm>> -> memref<128xi32, #tpu.memory_space<hbm>>
      tpu.enqueue_dma source(%dma_start3A_36 : memref<128xi32, #tpu.memory_space<hbm>>) target(%arg7 : memref<128xi32, #tpu.memory_space<vmem>>) target_semaphore(%run_scoped3A : memref<!tpu.dma_semaphore, #tpu.memory_space<semaphore_mem>>)
      %dma_wait3A_37 = tpu.memref_slice %arg3[%add3A_8] : memref<327680xi32, #tpu.memory_space<hbm>> -> memref<128xi32, #tpu.memory_space<hbm>>
      %dma_wait3A_38 = tpu.memref_slice %arg3[%add3A_8] : memref<327680xi32, #tpu.memory_space<hbm>> -> memref<128xi32, #tpu.memory_space<hbm>>
      tpu.wait_dma2 semaphore(%run_scoped3A : memref<!tpu.dma_semaphore, #tpu.memory_space<semaphore_mem>>) src(%dma_wait3A_38 : memref<128xi32, #tpu.memory_space<hbm>>) dst(%arg7 : memref<128xi32, #tpu.memory_space<vmem>>)
      tpu.yield
    }) : () -> ()
    %add3A_9 = arith.constant 0 : i32
    %add3A_10 = arith.addi %mul3A_2, %add3A_9 : i32
    "tpu.region"() ({
      %run_scoped3A = tpu.sem_alloc : memref<!tpu.dma_semaphore, #tpu.memory_space<semaphore_mem>>
      %dma_start3A_35 = tpu.memref_slice %arg4[%add3A_10] : memref<327680xi32, #tpu.memory_space<hbm>> -> memref<128xi32, #tpu.memory_space<hbm>>
      %dma_start3A_36 = tpu.memref_slice %arg4[%add3A_10] : memref<327680xi32, #tpu.memory_space<hbm>> -> memref<128xi32, #tpu.memory_space<hbm>>
      tpu.enqueue_dma source(%dma_start3A_36 : memref<128xi32, #tpu.memory_space<hbm>>) target(%arg9 : memref<128xi32, #tpu.memory_space<vmem>>) target_semaphore(%run_scoped3A : memref<!tpu.dma_semaphore, #tpu.memory_space<semaphore_mem>>)
      %dma_wait3A_37 = tpu.memref_slice %arg4[%add3A_10] : memref<327680xi32, #tpu.memory_space<hbm>> -> memref<128xi32, #tpu.memory_space<hbm>>
      %dma_wait3A_38 = tpu.memref_slice %arg4[%add3A_10] : memref<327680xi32, #tpu.memory_space<hbm>> -> memref<128xi32, #tpu.memory_space<hbm>>
      tpu.wait_dma2 semaphore(%run_scoped3A : memref<!tpu.dma_semaphore, #tpu.memory_space<semaphore_mem>>) src(%dma_wait3A_38 : memref<128xi32, #tpu.memory_space<hbm>>) dst(%arg9 : memref<128xi32, #tpu.memory_space<vmem>>)
      tpu.yield
    }) : () -> ()
    %dma_start3A = arith.constant 0 : i32
    %dma_start3A_11 = arith.constant 0 : i32
    %dma_start3A_12 = tpu.memref_slice %arg2[%dma_start3A, %dma_start3A_11] : memref<10000x128xf32, #tpu.memory_space<hbm>> -> memref<10000x128xf32, #tpu.memory_space<hbm>>
    tpu.enqueue_indirect_dma source(%dma_start3A_12 : memref<10000x128xf32, #tpu.memory_space<hbm>>) target(%arg11 : memref<128x128xf32, #tpu.memory_space<vmem>>) offsets(%arg7 : memref<128xi32, #tpu.memory_space<vmem>>) semaphore(%arg14 : memref<!tpu.dma_semaphore, #tpu.memory_space<semaphore_mem>>)
    %add3A_13 = arith.constant 128 : i32
    %add3A_14 = arith.addi %mul3A_2, %add3A_13 : i32
    "tpu.region"() ({
      %run_scoped3A = tpu.sem_alloc : memref<!tpu.dma_semaphore, #tpu.memory_space<semaphore_mem>>
      %dma_start3A_35 = tpu.memref_slice %arg3[%add3A_14] : memref<327680xi32, #tpu.memory_space<hbm>> -> memref<128xi32, #tpu.memory_space<hbm>>
      %dma_start3A_36 = tpu.memref_slice %arg3[%add3A_14] : memref<327680xi32, #tpu.memory_space<hbm>> -> memref<128xi32, #tpu.memory_space<hbm>>
      tpu.enqueue_dma source(%dma_start3A_36 : memref<128xi32, #tpu.memory_space<hbm>>) target(%arg8 : memref<128xi32, #tpu.memory_space<vmem>>) target_semaphore(%run_scoped3A : memref<!tpu.dma_semaphore, #tpu.memory_space<semaphore_mem>>)
      %dma_wait3A_37 = tpu.memref_slice %arg3[%add3A_14] : memref<327680xi32, #tpu.memory_space<hbm>> -> memref<128xi32, #tpu.memory_space<hbm>>
      %dma_wait3A_38 = tpu.memref_slice %arg3[%add3A_14] : memref<327680xi32, #tpu.memory_space<hbm>> -> memref<128xi32, #tpu.memory_space<hbm>>
      tpu.wait_dma2 semaphore(%run_scoped3A : memref<!tpu.dma_semaphore, #tpu.memory_space<semaphore_mem>>) src(%dma_wait3A_38 : memref<128xi32, #tpu.memory_space<hbm>>) dst(%arg8 : memref<128xi32, #tpu.memory_space<vmem>>)
      tpu.yield
    }) : () -> ()
    %add3A_15 = arith.constant 128 : i32
    %add3A_16 = arith.addi %mul3A_2, %add3A_15 : i32
    "tpu.region"() ({
      %run_scoped3A = tpu.sem_alloc : memref<!tpu.dma_semaphore, #tpu.memory_space<semaphore_mem>>
      %dma_start3A_35 = tpu.memref_slice %arg4[%add3A_16] : memref<327680xi32, #tpu.memory_space<hbm>> -> memref<128xi32, #tpu.memory_space<hbm>>
      %dma_start3A_36 = tpu.memref_slice %arg4[%add3A_16] : memref<327680xi32, #tpu.memory_space<hbm>> -> memref<128xi32, #tpu.memory_space<hbm>>
      tpu.enqueue_dma source(%dma_start3A_36 : memref<128xi32, #tpu.memory_space<hbm>>) target(%arg10 : memref<128xi32, #tpu.memory_space<vmem>>) target_semaphore(%run_scoped3A : memref<!tpu.dma_semaphore, #tpu.memory_space<semaphore_mem>>)
      %dma_wait3A_37 = tpu.memref_slice %arg4[%add3A_16] : memref<327680xi32, #tpu.memory_space<hbm>> -> memref<128xi32, #tpu.memory_space<hbm>>
      %dma_wait3A_38 = tpu.memref_slice %arg4[%add3A_16] : memref<327680xi32, #tpu.memory_space<hbm>> -> memref<128xi32, #tpu.memory_space<hbm>>
      tpu.wait_dma2 semaphore(%run_scoped3A : memref<!tpu.dma_semaphore, #tpu.memory_space<semaphore_mem>>) src(%dma_wait3A_38 : memref<128xi32, #tpu.memory_space<hbm>>) dst(%arg10 : memref<128xi32, #tpu.memory_space<vmem>>)
      tpu.yield
    }) : () -> ()
    %dma_start3A_17 = arith.constant 0 : i32
    %dma_start3A_18 = arith.constant 0 : i32
    %dma_start3A_19 = tpu.memref_slice %arg2[%dma_start3A_17, %dma_start3A_18] : memref<10000x128xf32, #tpu.memory_space<hbm>> -> memref<10000x128xf32, #tpu.memory_space<hbm>>
    tpu.enqueue_indirect_dma source(%dma_start3A_19 : memref<10000x128xf32, #tpu.memory_space<hbm>>) target(%arg12 : memref<128x128xf32, #tpu.memory_space<vmem>>) offsets(%arg8 : memref<128xi32, #tpu.memory_space<vmem>>) semaphore(%arg15 : memref<!tpu.dma_semaphore, #tpu.memory_space<semaphore_mem>>)
    %barrier3A = arith.constant 0 : index
    tpu.barrier barrier_id(%barrier3A)
    %scan3A = arith.constant 0 : i32
    %scan3A_20 = arith.constant 0 : i32
    %scan3A_21 = arith.constant 39 : i32
    %scan3A_22 = arith.addi %scan3A_20, %scan3A_21 : i32
    %scan3A_23 = arith.constant 1 : i32
    scf.for %scan3A_35 = %scan3A_20 to %scan3A_22 step %scan3A_23  : i32 {
      %mul3A_36 = arith.constant 2 : i32
      %mul3A_37 = arith.muli %scan3A_35, %mul3A_36 : i32
      %add3A_38 = arith.constant 0 : i32
      %add3A_39 = arith.addi %mul3A_37, %add3A_38 : i32
      %add3A_40 = arith.constant 2 : i32
      %add3A_41 = arith.addi %add3A_39, %add3A_40 : i32
      %mul3A_42 = arith.constant 128 : i32
      %mul3A_43 = arith.muli %add3A_41, %mul3A_42 : i32
      %add3A_44 = arith.addi %mul3A_2, %mul3A_43 : i32
      %dma_wait3A_45 = arith.constant 0 : i32
      %dma_wait3A_46 = arith.constant 0 : i32
      %dma_wait3A_47 = tpu.memref_slice %arg2[%dma_wait3A_45, %dma_wait3A_46] : memref<10000x128xf32, #tpu.memory_space<hbm>> -> memref<10000x128xf32, #tpu.memory_space<hbm>>
      tpu.wait_indirect_dma semaphore(%arg14 : memref<!tpu.dma_semaphore, #tpu.memory_space<semaphore_mem>>) src(%dma_wait3A_47 : memref<10000x128xf32, #tpu.memory_space<hbm>>) dst(%arg11 : memref<128x128xf32, #tpu.memory_space<vmem>>)
      "tpu.region"() ({
        %run_scoped3A = tpu.sem_alloc : memref<!tpu.dma_semaphore, #tpu.memory_space<semaphore_mem>>
        %dma_start3A_66 = arith.constant 0 : i32
        %dma_start3A_67 = arith.constant 0 : i32
        %dma_start3A_68 = tpu.memref_slice %arg13[%dma_start3A_66, %dma_start3A_67] : memref<10112x128xf32, #tpu.memory_space<vmem_shared>> -> memref<10112x128xf32, #tpu.memory_space<vmem_shared>>
        tpu.enqueue_indirect_dma source(%arg11 : memref<128x128xf32, #tpu.memory_space<vmem>>) target(%dma_start3A_68 : memref<10112x128xf32, #tpu.memory_space<vmem_shared>>) offsets(%arg9 : memref<128xi32, #tpu.memory_space<vmem>>) semaphore(%run_scoped3A : memref<!tpu.dma_semaphore, #tpu.memory_space<semaphore_mem>>) {add = true}
        %dma_wait3A_69 = arith.constant 0 : i32
        %dma_wait3A_70 = arith.constant 0 : i32
        %dma_wait3A_71 = tpu.memref_slice %arg13[%dma_wait3A_69, %dma_wait3A_70] : memref<10112x128xf32, #tpu.memory_space<vmem_shared>> -> memref<10112x128xf32, #tpu.memory_space<vmem_shared>>
        tpu.wait_indirect_dma semaphore(%run_scoped3A : memref<!tpu.dma_semaphore, #tpu.memory_space<semaphore_mem>>) src(%arg11 : memref<128x128xf32, #tpu.memory_space<vmem>>) dst(%dma_wait3A_71 : memref<10112x128xf32, #tpu.memory_space<vmem_shared>>)
        tpu.yield
      }) : () -> ()
      "tpu.region"() ({
        %run_scoped3A = tpu.sem_alloc : memref<!tpu.dma_semaphore, #tpu.memory_space<semaphore_mem>>
        %dma_start3A_66 = tpu.memref_slice %arg3[%add3A_44] : memref<327680xi32, #tpu.memory_space<hbm>> -> memref<128xi32, #tpu.memory_space<hbm>>
        %dma_start3A_67 = tpu.memref_slice %arg3[%add3A_44] : memref<327680xi32, #tpu.memory_space<hbm>> -> memref<128xi32, #tpu.memory_space<hbm>>
        tpu.enqueue_dma source(%dma_start3A_67 : memref<128xi32, #tpu.memory_space<hbm>>) target(%arg7 : memref<128xi32, #tpu.memory_space<vmem>>) target_semaphore(%run_scoped3A : memref<!tpu.dma_semaphore, #tpu.memory_space<semaphore_mem>>)
        %dma_wait3A_68 = tpu.memref_slice %arg3[%add3A_44] : memref<327680xi32, #tpu.memory_space<hbm>> -> memref<128xi32, #tpu.memory_space<hbm>>
        %dma_wait3A_69 = tpu.memref_slice %arg3[%add3A_44] : memref<327680xi32, #tpu.memory_space<hbm>> -> memref<128xi32, #tpu.memory_space<hbm>>
        tpu.wait_dma2 semaphore(%run_scoped3A : memref<!tpu.dma_semaphore, #tpu.memory_space<semaphore_mem>>) src(%dma_wait3A_69 : memref<128xi32, #tpu.memory_space<hbm>>) dst(%arg7 : memref<128xi32, #tpu.memory_space<vmem>>)
        tpu.yield
      }) : () -> ()
      "tpu.region"() ({
        %run_scoped3A = tpu.sem_alloc : memref<!tpu.dma_semaphore, #tpu.memory_space<semaphore_mem>>
        %dma_start3A_66 = tpu.memref_slice %arg4[%add3A_44] : memref<327680xi32, #tpu.memory_space<hbm>> -> memref<128xi32, #tpu.memory_space<hbm>>
        %dma_start3A_67 = tpu.memref_slice %arg4[%add3A_44] : memref<327680xi32, #tpu.memory_space<hbm>> -> memref<128xi32, #tpu.memory_space<hbm>>
        tpu.enqueue_dma source(%dma_start3A_67 : memref<128xi32, #tpu.memory_space<hbm>>) target(%arg9 : memref<128xi32, #tpu.memory_space<vmem>>) target_semaphore(%run_scoped3A : memref<!tpu.dma_semaphore, #tpu.memory_space<semaphore_mem>>)
        %dma_wait3A_68 = tpu.memref_slice %arg4[%add3A_44] : memref<327680xi32, #tpu.memory_space<hbm>> -> memref<128xi32, #tpu.memory_space<hbm>>
        %dma_wait3A_69 = tpu.memref_slice %arg4[%add3A_44] : memref<327680xi32, #tpu.memory_space<hbm>> -> memref<128xi32, #tpu.memory_space<hbm>>
        tpu.wait_dma2 semaphore(%run_scoped3A : memref<!tpu.dma_semaphore, #tpu.memory_space<semaphore_mem>>) src(%dma_wait3A_69 : memref<128xi32, #tpu.memory_space<hbm>>) dst(%arg9 : memref<128xi32, #tpu.memory_space<vmem>>)
        tpu.yield
      }) : () -> ()
      %dma_start3A_48 = arith.constant 0 : i32
      %dma_start3A_49 = arith.constant 0 : i32
      %dma_start3A_50 = tpu.memref_slice %arg2[%dma_start3A_48, %dma_start3A_49] : memref<10000x128xf32, #tpu.memory_space<hbm>> -> memref<10000x128xf32, #tpu.memory_space<hbm>>
      tpu.enqueue_indirect_dma source(%dma_start3A_50 : memref<10000x128xf32, #tpu.memory_space<hbm>>) target(%arg11 : memref<128x128xf32, #tpu.memory_space<vmem>>) offsets(%arg7 : memref<128xi32, #tpu.memory_space<vmem>>) semaphore(%arg14 : memref<!tpu.dma_semaphore, #tpu.memory_space<semaphore_mem>>)
      %mul3A_51 = arith.constant 2 : i32
      %mul3A_52 = arith.muli %scan3A_35, %mul3A_51 : i32
      %add3A_53 = arith.constant 1 : i32
      %add3A_54 = arith.addi %mul3A_52, %add3A_53 : i32
      %add3A_55 = arith.constant 2 : i32
      %add3A_56 = arith.addi %add3A_54, %add3A_55 : i32
      %mul3A_57 = arith.constant 128 : i32
      %mul3A_58 = arith.muli %add3A_56, %mul3A_57 : i32
      %add3A_59 = arith.addi %mul3A_2, %mul3A_58 : i32
      %dma_wait3A_60 = arith.constant 0 : i32
      %dma_wait3A_61 = arith.constant 0 : i32
      %dma_wait3A_62 = tpu.memref_slice %arg2[%dma_wait3A_60, %dma_wait3A_61] : memref<10000x128xf32, #tpu.memory_space<hbm>> -> memref<10000x128xf32, #tpu.memory_space<hbm>>
      tpu.wait_indirect_dma semaphore(%arg15 : memref<!tpu.dma_semaphore, #tpu.memory_space<semaphore_mem>>) src(%dma_wait3A_62 : memref<10000x128xf32, #tpu.memory_space<hbm>>) dst(%arg12 : memref<128x128xf32, #tpu.memory_space<vmem>>)
      "tpu.region"() ({
        %run_scoped3A = tpu.sem_alloc : memref<!tpu.dma_semaphore, #tpu.memory_space<semaphore_mem>>
        %dma_start3A_66 = arith.constant 0 : i32
        %dma_start3A_67 = arith.constant 0 : i32
        %dma_start3A_68 = tpu.memref_slice %arg13[%dma_start3A_66, %dma_start3A_67] : memref<10112x128xf32, #tpu.memory_space<vmem_shared>> -> memref<10112x128xf32, #tpu.memory_space<vmem_shared>>
        tpu.enqueue_indirect_dma source(%arg12 : memref<128x128xf32, #tpu.memory_space<vmem>>) target(%dma_start3A_68 : memref<10112x128xf32, #tpu.memory_space<vmem_shared>>) offsets(%arg10 : memref<128xi32, #tpu.memory_space<vmem>>) semaphore(%run_scoped3A : memref<!tpu.dma_semaphore, #tpu.memory_space<semaphore_mem>>) {add = true}
        %dma_wait3A_69 = arith.constant 0 : i32
        %dma_wait3A_70 = arith.constant 0 : i32
        %dma_wait3A_71 = tpu.memref_slice %arg13[%dma_wait3A_69, %dma_wait3A_70] : memref<10112x128xf32, #tpu.memory_space<vmem_shared>> -> memref<10112x128xf32, #tpu.memory_space<vmem_shared>>
        tpu.wait_indirect_dma semaphore(%run_scoped3A : memref<!tpu.dma_semaphore, #tpu.memory_space<semaphore_mem>>) src(%arg12 : memref<128x128xf32, #tpu.memory_space<vmem>>) dst(%dma_wait3A_71 : memref<10112x128xf32, #tpu.memory_space<vmem_shared>>)
        tpu.yield
      }) : () -> ()
      "tpu.region"() ({
        %run_scoped3A = tpu.sem_alloc : memref<!tpu.dma_semaphore, #tpu.memory_space<semaphore_mem>>
        %dma_start3A_66 = tpu.memref_slice %arg3[%add3A_59] : memref<327680xi32, #tpu.memory_space<hbm>> -> memref<128xi32, #tpu.memory_space<hbm>>
        %dma_start3A_67 = tpu.memref_slice %arg3[%add3A_59] : memref<327680xi32, #tpu.memory_space<hbm>> -> memref<128xi32, #tpu.memory_space<hbm>>
        tpu.enqueue_dma source(%dma_start3A_67 : memref<128xi32, #tpu.memory_space<hbm>>) target(%arg8 : memref<128xi32, #tpu.memory_space<vmem>>) target_semaphore(%run_scoped3A : memref<!tpu.dma_semaphore, #tpu.memory_space<semaphore_mem>>)
        %dma_wait3A_68 = tpu.memref_slice %arg3[%add3A_59] : memref<327680xi32, #tpu.memory_space<hbm>> -> memref<128xi32, #tpu.memory_space<hbm>>
        %dma_wait3A_69 = tpu.memref_slice %arg3[%add3A_59] : memref<327680xi32, #tpu.memory_space<hbm>> -> memref<128xi32, #tpu.memory_space<hbm>>
        tpu.wait_dma2 semaphore(%run_scoped3A : memref<!tpu.dma_semaphore, #tpu.memory_space<semaphore_mem>>) src(%dma_wait3A_69 : memref<128xi32, #tpu.memory_space<hbm>>) dst(%arg8 : memref<128xi32, #tpu.memory_space<vmem>>)
        tpu.yield
      }) : () -> ()
      "tpu.region"() ({
        %run_scoped3A = tpu.sem_alloc : memref<!tpu.dma_semaphore, #tpu.memory_space<semaphore_mem>>
        %dma_start3A_66 = tpu.memref_slice %arg4[%add3A_59] : memref<327680xi32, #tpu.memory_space<hbm>> -> memref<128xi32, #tpu.memory_space<hbm>>
        %dma_start3A_67 = tpu.memref_slice %arg4[%add3A_59] : memref<327680xi32, #tpu.memory_space<hbm>> -> memref<128xi32, #tpu.memory_space<hbm>>
        tpu.enqueue_dma source(%dma_start3A_67 : memref<128xi32, #tpu.memory_space<hbm>>) target(%arg10 : memref<128xi32, #tpu.memory_space<vmem>>) target_semaphore(%run_scoped3A : memref<!tpu.dma_semaphore, #tpu.memory_space<semaphore_mem>>)
        %dma_wait3A_68 = tpu.memref_slice %arg4[%add3A_59] : memref<327680xi32, #tpu.memory_space<hbm>> -> memref<128xi32, #tpu.memory_space<hbm>>
        %dma_wait3A_69 = tpu.memref_slice %arg4[%add3A_59] : memref<327680xi32, #tpu.memory_space<hbm>> -> memref<128xi32, #tpu.memory_space<hbm>>
        tpu.wait_dma2 semaphore(%run_scoped3A : memref<!tpu.dma_semaphore, #tpu.memory_space<semaphore_mem>>) src(%dma_wait3A_69 : memref<128xi32, #tpu.memory_space<hbm>>) dst(%arg10 : memref<128xi32, #tpu.memory_space<vmem>>)
        tpu.yield
      }) : () -> ()
      %dma_start3A_63 = arith.constant 0 : i32
      %dma_start3A_64 = arith.constant 0 : i32
      %dma_start3A_65 = tpu.memref_slice %arg2[%dma_start3A_63, %dma_start3A_64] : memref<10000x128xf32, #tpu.memory_space<hbm>> -> memref<10000x128xf32, #tpu.memory_space<hbm>>
      tpu.enqueue_indirect_dma source(%dma_start3A_65 : memref<10000x128xf32, #tpu.memory_space<hbm>>) target(%arg12 : memref<128x128xf32, #tpu.memory_space<vmem>>) offsets(%arg8 : memref<128xi32, #tpu.memory_space<vmem>>) semaphore(%arg15 : memref<!tpu.dma_semaphore, #tpu.memory_space<semaphore_mem>>)
    }
    %scan3A_24 = arith.constant 39 : i32
    %dma_wait3A = arith.constant 0 : i32
    %dma_wait3A_25 = arith.constant 0 : i32
    %dma_wait3A_26 = tpu.memref_slice %arg2[%dma_wait3A, %dma_wait3A_25] : memref<10000x128xf32, #tpu.memory_space<hbm>> -> memref<10000x128xf32, #tpu.memory_space<hbm>>
    tpu.wait_indirect_dma semaphore(%arg14 : memref<!tpu.dma_semaphore, #tpu.memory_space<semaphore_mem>>) src(%dma_wait3A_26 : memref<10000x128xf32, #tpu.memory_space<hbm>>) dst(%arg11 : memref<128x128xf32, #tpu.memory_space<vmem>>)
    "tpu.region"() ({
      %run_scoped3A = tpu.sem_alloc : memref<!tpu.dma_semaphore, #tpu.memory_space<semaphore_mem>>
      %dma_start3A_35 = arith.constant 0 : i32
      %dma_start3A_36 = arith.constant 0 : i32
      %dma_start3A_37 = tpu.memref_slice %arg13[%dma_start3A_35, %dma_start3A_36] : memref<10112x128xf32, #tpu.memory_space<vmem_shared>> -> memref<10112x128xf32, #tpu.memory_space<vmem_shared>>
      tpu.enqueue_indirect_dma source(%arg11 : memref<128x128xf32, #tpu.memory_space<vmem>>) target(%dma_start3A_37 : memref<10112x128xf32, #tpu.memory_space<vmem_shared>>) offsets(%arg9 : memref<128xi32, #tpu.memory_space<vmem>>) semaphore(%run_scoped3A : memref<!tpu.dma_semaphore, #tpu.memory_space<semaphore_mem>>) {add = true}
      %dma_wait3A_38 = arith.constant 0 : i32
      %dma_wait3A_39 = arith.constant 0 : i32
      %dma_wait3A_40 = tpu.memref_slice %arg13[%dma_wait3A_38, %dma_wait3A_39] : memref<10112x128xf32, #tpu.memory_space<vmem_shared>> -> memref<10112x128xf32, #tpu.memory_space<vmem_shared>>
      tpu.wait_indirect_dma semaphore(%run_scoped3A : memref<!tpu.dma_semaphore, #tpu.memory_space<semaphore_mem>>) src(%arg11 : memref<128x128xf32, #tpu.memory_space<vmem>>) dst(%dma_wait3A_40 : memref<10112x128xf32, #tpu.memory_space<vmem_shared>>)
      tpu.yield
    }) : () -> ()
    %dma_wait3A_27 = arith.constant 0 : i32
    %dma_wait3A_28 = arith.constant 0 : i32
    %dma_wait3A_29 = tpu.memref_slice %arg2[%dma_wait3A_27, %dma_wait3A_28] : memref<10000x128xf32, #tpu.memory_space<hbm>> -> memref<10000x128xf32, #tpu.memory_space<hbm>>
    tpu.wait_indirect_dma semaphore(%arg15 : memref<!tpu.dma_semaphore, #tpu.memory_space<semaphore_mem>>) src(%dma_wait3A_29 : memref<10000x128xf32, #tpu.memory_space<hbm>>) dst(%arg12 : memref<128x128xf32, #tpu.memory_space<vmem>>)
    "tpu.region"() ({
      %run_scoped3A = tpu.sem_alloc : memref<!tpu.dma_semaphore, #tpu.memory_space<semaphore_mem>>
      %dma_start3A_35 = arith.constant 0 : i32
      %dma_start3A_36 = arith.constant 0 : i32
      %dma_start3A_37 = tpu.memref_slice %arg13[%dma_start3A_35, %dma_start3A_36] : memref<10112x128xf32, #tpu.memory_space<vmem_shared>> -> memref<10112x128xf32, #tpu.memory_space<vmem_shared>>
      tpu.enqueue_indirect_dma source(%arg12 : memref<128x128xf32, #tpu.memory_space<vmem>>) target(%dma_start3A_37 : memref<10112x128xf32, #tpu.memory_space<vmem_shared>>) offsets(%arg10 : memref<128xi32, #tpu.memory_space<vmem>>) semaphore(%run_scoped3A : memref<!tpu.dma_semaphore, #tpu.memory_space<semaphore_mem>>) {add = true}
      %dma_wait3A_38 = arith.constant 0 : i32
      %dma_wait3A_39 = arith.constant 0 : i32
      %dma_wait3A_40 = tpu.memref_slice %arg13[%dma_wait3A_38, %dma_wait3A_39] : memref<10112x128xf32, #tpu.memory_space<vmem_shared>> -> memref<10112x128xf32, #tpu.memory_space<vmem_shared>>
      tpu.wait_indirect_dma semaphore(%run_scoped3A : memref<!tpu.dma_semaphore, #tpu.memory_space<semaphore_mem>>) src(%arg12 : memref<128x128xf32, #tpu.memory_space<vmem>>) dst(%dma_wait3A_40 : memref<10112x128xf32, #tpu.memory_space<vmem_shared>>)
      tpu.yield
    }) : () -> ()
    %barrier3A_30 = arith.constant 0 : index
    tpu.barrier barrier_id(%barrier3A_30)
    %mul3A_31 = arith.constant 632 : i32
    %mul3A_32 = arith.muli %arg1, %mul3A_31 : i32
    %mul3A_33 = arith.constant 632 : i32
    %mul3A_34 = arith.muli %arg1, %mul3A_33 : i32
    "tpu.region"() ({
      %run_scoped3A = tpu.sem_alloc : memref<!tpu.dma_semaphore, #tpu.memory_space<semaphore_mem>>
      %dma_start3A_35 = arith.constant 0 : i32
      %dma_start3A_36 = tpu.memref_slice %arg6[%arg0, %mul3A_34, %dma_start3A_35] : memref<2x10112x128xf32, #tpu.memory_space<hbm>> -> memref<1x632x128xf32, #tpu.memory_space<hbm>>
      %dma_start3A_37 = tpu.memref_squeeze %dma_start3A_36 : memref<1x632x128xf32, #tpu.memory_space<hbm>> -> memref<632x128xf32, #tpu.memory_space<hbm>>
      %dma_start3A_38 = arith.constant 0 : i32
      %dma_start3A_39 = tpu.memref_slice %arg13[%mul3A_32, %dma_start3A_38] : memref<10112x128xf32, #tpu.memory_space<vmem_shared>> -> memref<632x128xf32, #tpu.memory_space<vmem_shared>>
      tpu.enqueue_dma source(%dma_start3A_39 : memref<632x128xf32, #tpu.memory_space<vmem_shared>>) target(%dma_start3A_37 : memref<632x128xf32, #tpu.memory_space<hbm>>) target_semaphore(%run_scoped3A : memref<!tpu.dma_semaphore, #tpu.memory_space<semaphore_mem>>)
      %dma_wait3A_40 = arith.constant 0 : i32
      %dma_wait3A_41 = tpu.memref_slice %arg6[%arg0, %mul3A_34, %dma_wait3A_40] : memref<2x10112x128xf32, #tpu.memory_space<hbm>> -> memref<1x632x128xf32, #tpu.memory_space<hbm>>
      %dma_wait3A_42 = tpu.memref_squeeze %dma_wait3A_41 : memref<1x632x128xf32, #tpu.memory_space<hbm>> -> memref<632x128xf32, #tpu.memory_space<hbm>>
      %dma_wait3A_43 = arith.constant 0 : i32
      %dma_wait3A_44 = tpu.memref_slice %arg13[%mul3A_32, %dma_wait3A_43] : memref<10112x128xf32, #tpu.memory_space<vmem_shared>> -> memref<632x128xf32, #tpu.memory_space<vmem_shared>>
      tpu.wait_dma2 semaphore(%run_scoped3A : memref<!tpu.dma_semaphore, #tpu.memory_space<semaphore_mem>>) src(%dma_wait3A_44 : memref<632x128xf32, #tpu.memory_space<vmem_shared>>) dst(%dma_wait3A_42 : memref<632x128xf32, #tpu.memory_space<hbm>>)
      tpu.yield
    }) : () -> ()
    return
  }
}

#map = affine_map<(d0, d1) -> (0, 0)>
#map1 = affine_map<(d0, d1) -> (0)>
#map2 = affine_map<(d0, d1) -> (0, 0, 0)>
module attributes {stable_mosaic.version = 14 : i64} {
  func.func @_sc_agg(%arg0: i32, %arg1: i32, %arg2: memref<10000x128xf32, #tpu.memory_space<hbm>>, %arg3: memref<327680xi32, #tpu.memory_space<hbm>>, %arg4: memref<327680xi32, #tpu.memory_space<hbm>>, %arg5: memref<10112x128xf32, #tpu.memory_space<hbm>>, %arg6: memref<2x10112x128xf32, #tpu.memory_space<hbm>>, %arg7: memref<128xi32, #tpu.memory_space<vmem>>, %arg8: memref<128xi32, #tpu.memory_space<vmem>>, %arg9: memref<128xi32, #tpu.memory_space<vmem>>, %arg10: memref<128xi32, #tpu.memory_space<vmem>>, %arg11: memref<128x128xf32, #tpu.memory_space<vmem>>, %arg12: memref<128x128xf32, #tpu.memory_space<vmem>>, %arg13: memref<10112x128xf32, #tpu.memory_space<vmem_shared>>, %arg14: memref<!tpu.dma_semaphore, #tpu.memory_space<semaphore_mem>>, %arg15: memref<!tpu.dma_semaphore, #tpu.memory_space<semaphore_mem>>) attributes {dimension_semantics = [#tpu.dimension_semantics<core_parallel>, #tpu.dimension_semantics<subcore_parallel>], iteration_bounds = array<i64: 2, 16>, scalar_prefetch = 0 : i64, scratch_operands = 9 : i64, tpu.core_type = #tpu.core_type<sc_vector_subcore>, window_params = [{transform_indices = #map}, {transform_indices = #map1}, {transform_indices = #map1}, {transform_indices = #map}, {transform_indices = #map2}]} {
    %mul3A = arith.constant 2 : i32
    %mul3A_0 = arith.muli %arg1, %mul3A : i32
    %add3A = arith.addi %mul3A_0, %arg0 : i32
    %mul3A_1 = arith.constant 10240 : i32
    %mul3A_2 = arith.muli %add3A, %mul3A_1 : i32
    %mul3A_3 = arith.constant 632 : i32
    %mul3A_4 = arith.muli %arg1, %mul3A_3 : i32
    %mul3A_5 = arith.constant 632 : i32
    %mul3A_6 = arith.muli %arg1, %mul3A_5 : i32
    "tpu.region"() ({
      %run_scoped3A = tpu.sem_alloc : memref<!tpu.dma_semaphore, #tpu.memory_space<semaphore_mem>>
      %dma_start3A_35 = arith.constant 0 : i32
      %dma_start3A_36 = tpu.memref_slice %arg13[%mul3A_6, %dma_start3A_35] : memref<10112x128xf32, #tpu.memory_space<vmem_shared>> -> memref<632x128xf32, #tpu.memory_space<vmem_shared>>
      %dma_start3A_37 = arith.constant 0 : i32
      %dma_start3A_38 = tpu.memref_slice %arg5[%mul3A_4, %dma_start3A_37] : memref<10112x128xf32, #tpu.memory_space<hbm>> -> memref<632x128xf32, #tpu.memory_space<hbm>>
      tpu.enqueue_dma source(%dma_start3A_38 : memref<632x128xf32, #tpu.memory_space<hbm>>) target(%dma_start3A_36 : memref<632x128xf32, #tpu.memory_space<vmem_shared>>) target_semaphore(%run_scoped3A : memref<!tpu.dma_semaphore, #tpu.memory_space<semaphore_mem>>)
      %dma_wait3A_39 = arith.constant 0 : i32
      %dma_wait3A_40 = tpu.memref_slice %arg13[%mul3A_6, %dma_wait3A_39] : memref<10112x128xf32, #tpu.memory_space<vmem_shared>> -> memref<632x128xf32, #tpu.memory_space<vmem_shared>>
      %dma_wait3A_41 = arith.constant 0 : i32
      %dma_wait3A_42 = tpu.memref_slice %arg5[%mul3A_4, %dma_wait3A_41] : memref<10112x128xf32, #tpu.memory_space<hbm>> -> memref<632x128xf32, #tpu.memory_space<hbm>>
      tpu.wait_dma2 semaphore(%run_scoped3A : memref<!tpu.dma_semaphore, #tpu.memory_space<semaphore_mem>>) src(%dma_wait3A_42 : memref<632x128xf32, #tpu.memory_space<hbm>>) dst(%dma_wait3A_40 : memref<632x128xf32, #tpu.memory_space<vmem_shared>>)
      tpu.yield
    }) : () -> ()
    %add3A_7 = arith.constant 0 : i32
    %add3A_8 = arith.addi %mul3A_2, %add3A_7 : i32
    "tpu.region"() ({
      %run_scoped3A = tpu.sem_alloc : memref<!tpu.dma_semaphore, #tpu.memory_space<semaphore_mem>>
      %dma_start3A_35 = tpu.memref_slice %arg3[%add3A_8] : memref<327680xi32, #tpu.memory_space<hbm>> -> memref<128xi32, #tpu.memory_space<hbm>>
      %dma_start3A_36 = tpu.memref_slice %arg3[%add3A_8] : memref<327680xi32, #tpu.memory_space<hbm>> -> memref<128xi32, #tpu.memory_space<hbm>>
      tpu.enqueue_dma source(%dma_start3A_36 : memref<128xi32, #tpu.memory_space<hbm>>) target(%arg7 : memref<128xi32, #tpu.memory_space<vmem>>) target_semaphore(%run_scoped3A : memref<!tpu.dma_semaphore, #tpu.memory_space<semaphore_mem>>)
      %dma_wait3A_37 = tpu.memref_slice %arg3[%add3A_8] : memref<327680xi32, #tpu.memory_space<hbm>> -> memref<128xi32, #tpu.memory_space<hbm>>
      %dma_wait3A_38 = tpu.memref_slice %arg3[%add3A_8] : memref<327680xi32, #tpu.memory_space<hbm>> -> memref<128xi32, #tpu.memory_space<hbm>>
      tpu.wait_dma2 semaphore(%run_scoped3A : memref<!tpu.dma_semaphore, #tpu.memory_space<semaphore_mem>>) src(%dma_wait3A_38 : memref<128xi32, #tpu.memory_space<hbm>>) dst(%arg7 : memref<128xi32, #tpu.memory_space<vmem>>)
      tpu.yield
    }) : () -> ()
    %add3A_9 = arith.constant 0 : i32
    %add3A_10 = arith.addi %mul3A_2, %add3A_9 : i32
    "tpu.region"() ({
      %run_scoped3A = tpu.sem_alloc : memref<!tpu.dma_semaphore, #tpu.memory_space<semaphore_mem>>
      %dma_start3A_35 = tpu.memref_slice %arg4[%add3A_10] : memref<327680xi32, #tpu.memory_space<hbm>> -> memref<128xi32, #tpu.memory_space<hbm>>
      %dma_start3A_36 = tpu.memref_slice %arg4[%add3A_10] : memref<327680xi32, #tpu.memory_space<hbm>> -> memref<128xi32, #tpu.memory_space<hbm>>
      tpu.enqueue_dma source(%dma_start3A_36 : memref<128xi32, #tpu.memory_space<hbm>>) target(%arg9 : memref<128xi32, #tpu.memory_space<vmem>>) target_semaphore(%run_scoped3A : memref<!tpu.dma_semaphore, #tpu.memory_space<semaphore_mem>>)
      %dma_wait3A_37 = tpu.memref_slice %arg4[%add3A_10] : memref<327680xi32, #tpu.memory_space<hbm>> -> memref<128xi32, #tpu.memory_space<hbm>>
      %dma_wait3A_38 = tpu.memref_slice %arg4[%add3A_10] : memref<327680xi32, #tpu.memory_space<hbm>> -> memref<128xi32, #tpu.memory_space<hbm>>
      tpu.wait_dma2 semaphore(%run_scoped3A : memref<!tpu.dma_semaphore, #tpu.memory_space<semaphore_mem>>) src(%dma_wait3A_38 : memref<128xi32, #tpu.memory_space<hbm>>) dst(%arg9 : memref<128xi32, #tpu.memory_space<vmem>>)
      tpu.yield
    }) : () -> ()
    %dma_start3A = arith.constant 0 : i32
    %dma_start3A_11 = arith.constant 0 : i32
    %dma_start3A_12 = tpu.memref_slice %arg2[%dma_start3A, %dma_start3A_11] : memref<10000x128xf32, #tpu.memory_space<hbm>> -> memref<10000x128xf32, #tpu.memory_space<hbm>>
    tpu.enqueue_indirect_dma source(%dma_start3A_12 : memref<10000x128xf32, #tpu.memory_space<hbm>>) target(%arg11 : memref<128x128xf32, #tpu.memory_space<vmem>>) offsets(%arg7 : memref<128xi32, #tpu.memory_space<vmem>>) semaphore(%arg14 : memref<!tpu.dma_semaphore, #tpu.memory_space<semaphore_mem>>)
    %add3A_13 = arith.constant 128 : i32
    %add3A_14 = arith.addi %mul3A_2, %add3A_13 : i32
    "tpu.region"() ({
      %run_scoped3A = tpu.sem_alloc : memref<!tpu.dma_semaphore, #tpu.memory_space<semaphore_mem>>
      %dma_start3A_35 = tpu.memref_slice %arg3[%add3A_14] : memref<327680xi32, #tpu.memory_space<hbm>> -> memref<128xi32, #tpu.memory_space<hbm>>
      %dma_start3A_36 = tpu.memref_slice %arg3[%add3A_14] : memref<327680xi32, #tpu.memory_space<hbm>> -> memref<128xi32, #tpu.memory_space<hbm>>
      tpu.enqueue_dma source(%dma_start3A_36 : memref<128xi32, #tpu.memory_space<hbm>>) target(%arg8 : memref<128xi32, #tpu.memory_space<vmem>>) target_semaphore(%run_scoped3A : memref<!tpu.dma_semaphore, #tpu.memory_space<semaphore_mem>>)
      %dma_wait3A_37 = tpu.memref_slice %arg3[%add3A_14] : memref<327680xi32, #tpu.memory_space<hbm>> -> memref<128xi32, #tpu.memory_space<hbm>>
      %dma_wait3A_38 = tpu.memref_slice %arg3[%add3A_14] : memref<327680xi32, #tpu.memory_space<hbm>> -> memref<128xi32, #tpu.memory_space<hbm>>
      tpu.wait_dma2 semaphore(%run_scoped3A : memref<!tpu.dma_semaphore, #tpu.memory_space<semaphore_mem>>) src(%dma_wait3A_38 : memref<128xi32, #tpu.memory_space<hbm>>) dst(%arg8 : memref<128xi32, #tpu.memory_space<vmem>>)
      tpu.yield
    }) : () -> ()
    %add3A_15 = arith.constant 128 : i32
    %add3A_16 = arith.addi %mul3A_2, %add3A_15 : i32
    "tpu.region"() ({
      %run_scoped3A = tpu.sem_alloc : memref<!tpu.dma_semaphore, #tpu.memory_space<semaphore_mem>>
      %dma_start3A_35 = tpu.memref_slice %arg4[%add3A_16] : memref<327680xi32, #tpu.memory_space<hbm>> -> memref<128xi32, #tpu.memory_space<hbm>>
      %dma_start3A_36 = tpu.memref_slice %arg4[%add3A_16] : memref<327680xi32, #tpu.memory_space<hbm>> -> memref<128xi32, #tpu.memory_space<hbm>>
      tpu.enqueue_dma source(%dma_start3A_36 : memref<128xi32, #tpu.memory_space<hbm>>) target(%arg10 : memref<128xi32, #tpu.memory_space<vmem>>) target_semaphore(%run_scoped3A : memref<!tpu.dma_semaphore, #tpu.memory_space<semaphore_mem>>)
      %dma_wait3A_37 = tpu.memref_slice %arg4[%add3A_16] : memref<327680xi32, #tpu.memory_space<hbm>> -> memref<128xi32, #tpu.memory_space<hbm>>
      %dma_wait3A_38 = tpu.memref_slice %arg4[%add3A_16] : memref<327680xi32, #tpu.memory_space<hbm>> -> memref<128xi32, #tpu.memory_space<hbm>>
      tpu.wait_dma2 semaphore(%run_scoped3A : memref<!tpu.dma_semaphore, #tpu.memory_space<semaphore_mem>>) src(%dma_wait3A_38 : memref<128xi32, #tpu.memory_space<hbm>>) dst(%arg10 : memref<128xi32, #tpu.memory_space<vmem>>)
      tpu.yield
    }) : () -> ()
    %dma_start3A_17 = arith.constant 0 : i32
    %dma_start3A_18 = arith.constant 0 : i32
    %dma_start3A_19 = tpu.memref_slice %arg2[%dma_start3A_17, %dma_start3A_18] : memref<10000x128xf32, #tpu.memory_space<hbm>> -> memref<10000x128xf32, #tpu.memory_space<hbm>>
    tpu.enqueue_indirect_dma source(%dma_start3A_19 : memref<10000x128xf32, #tpu.memory_space<hbm>>) target(%arg12 : memref<128x128xf32, #tpu.memory_space<vmem>>) offsets(%arg8 : memref<128xi32, #tpu.memory_space<vmem>>) semaphore(%arg15 : memref<!tpu.dma_semaphore, #tpu.memory_space<semaphore_mem>>)
    %barrier3A = arith.constant 0 : index
    tpu.barrier barrier_id(%barrier3A)
    %scan3A = arith.constant 0 : i32
    %scan3A_20 = arith.constant 0 : i32
    %scan3A_21 = arith.constant 39 : i32
    %scan3A_22 = arith.addi %scan3A_20, %scan3A_21 : i32
    %scan3A_23 = arith.constant 1 : i32
    scf.for %scan3A_35 = %scan3A_20 to %scan3A_22 step %scan3A_23  : i32 {
      %mul3A_36 = arith.constant 2 : i32
      %mul3A_37 = arith.muli %scan3A_35, %mul3A_36 : i32
      %add3A_38 = arith.constant 0 : i32
      %add3A_39 = arith.addi %mul3A_37, %add3A_38 : i32
      %add3A_40 = arith.constant 2 : i32
      %add3A_41 = arith.addi %add3A_39, %add3A_40 : i32
      %mul3A_42 = arith.constant 128 : i32
      %mul3A_43 = arith.muli %add3A_41, %mul3A_42 : i32
      %add3A_44 = arith.addi %mul3A_2, %mul3A_43 : i32
      %dma_wait3A_45 = arith.constant 0 : i32
      %dma_wait3A_46 = arith.constant 0 : i32
      %dma_wait3A_47 = tpu.memref_slice %arg2[%dma_wait3A_45, %dma_wait3A_46] : memref<10000x128xf32, #tpu.memory_space<hbm>> -> memref<10000x128xf32, #tpu.memory_space<hbm>>
      tpu.wait_indirect_dma semaphore(%arg14 : memref<!tpu.dma_semaphore, #tpu.memory_space<semaphore_mem>>) src(%dma_wait3A_47 : memref<10000x128xf32, #tpu.memory_space<hbm>>) dst(%arg11 : memref<128x128xf32, #tpu.memory_space<vmem>>)
      "tpu.region"() ({
        %run_scoped3A = tpu.sem_alloc : memref<!tpu.dma_semaphore, #tpu.memory_space<semaphore_mem>>
        %dma_start3A_66 = arith.constant 0 : i32
        %dma_start3A_67 = arith.constant 0 : i32
        %dma_start3A_68 = tpu.memref_slice %arg13[%dma_start3A_66, %dma_start3A_67] : memref<10112x128xf32, #tpu.memory_space<vmem_shared>> -> memref<10112x128xf32, #tpu.memory_space<vmem_shared>>
        tpu.enqueue_indirect_dma source(%arg11 : memref<128x128xf32, #tpu.memory_space<vmem>>) target(%dma_start3A_68 : memref<10112x128xf32, #tpu.memory_space<vmem_shared>>) offsets(%arg9 : memref<128xi32, #tpu.memory_space<vmem>>) semaphore(%run_scoped3A : memref<!tpu.dma_semaphore, #tpu.memory_space<semaphore_mem>>) {add = true}
        %dma_wait3A_69 = arith.constant 0 : i32
        %dma_wait3A_70 = arith.constant 0 : i32
        %dma_wait3A_71 = tpu.memref_slice %arg13[%dma_wait3A_69, %dma_wait3A_70] : memref<10112x128xf32, #tpu.memory_space<vmem_shared>> -> memref<10112x128xf32, #tpu.memory_space<vmem_shared>>
        tpu.wait_indirect_dma semaphore(%run_scoped3A : memref<!tpu.dma_semaphore, #tpu.memory_space<semaphore_mem>>) src(%arg11 : memref<128x128xf32, #tpu.memory_space<vmem>>) dst(%dma_wait3A_71 : memref<10112x128xf32, #tpu.memory_space<vmem_shared>>)
        tpu.yield
      }) : () -> ()
      "tpu.region"() ({
        %run_scoped3A = tpu.sem_alloc : memref<!tpu.dma_semaphore, #tpu.memory_space<semaphore_mem>>
        %dma_start3A_66 = tpu.memref_slice %arg3[%add3A_44] : memref<327680xi32, #tpu.memory_space<hbm>> -> memref<128xi32, #tpu.memory_space<hbm>>
        %dma_start3A_67 = tpu.memref_slice %arg3[%add3A_44] : memref<327680xi32, #tpu.memory_space<hbm>> -> memref<128xi32, #tpu.memory_space<hbm>>
        tpu.enqueue_dma source(%dma_start3A_67 : memref<128xi32, #tpu.memory_space<hbm>>) target(%arg7 : memref<128xi32, #tpu.memory_space<vmem>>) target_semaphore(%run_scoped3A : memref<!tpu.dma_semaphore, #tpu.memory_space<semaphore_mem>>)
        %dma_wait3A_68 = tpu.memref_slice %arg3[%add3A_44] : memref<327680xi32, #tpu.memory_space<hbm>> -> memref<128xi32, #tpu.memory_space<hbm>>
        %dma_wait3A_69 = tpu.memref_slice %arg3[%add3A_44] : memref<327680xi32, #tpu.memory_space<hbm>> -> memref<128xi32, #tpu.memory_space<hbm>>
        tpu.wait_dma2 semaphore(%run_scoped3A : memref<!tpu.dma_semaphore, #tpu.memory_space<semaphore_mem>>) src(%dma_wait3A_69 : memref<128xi32, #tpu.memory_space<hbm>>) dst(%arg7 : memref<128xi32, #tpu.memory_space<vmem>>)
        tpu.yield
      }) : () -> ()
      "tpu.region"() ({
        %run_scoped3A = tpu.sem_alloc : memref<!tpu.dma_semaphore, #tpu.memory_space<semaphore_mem>>
        %dma_start3A_66 = tpu.memref_slice %arg4[%add3A_44] : memref<327680xi32, #tpu.memory_space<hbm>> -> memref<128xi32, #tpu.memory_space<hbm>>
        %dma_start3A_67 = tpu.memref_slice %arg4[%add3A_44] : memref<327680xi32, #tpu.memory_space<hbm>> -> memref<128xi32, #tpu.memory_space<hbm>>
        tpu.enqueue_dma source(%dma_start3A_67 : memref<128xi32, #tpu.memory_space<hbm>>) target(%arg9 : memref<128xi32, #tpu.memory_space<vmem>>) target_semaphore(%run_scoped3A : memref<!tpu.dma_semaphore, #tpu.memory_space<semaphore_mem>>)
        %dma_wait3A_68 = tpu.memref_slice %arg4[%add3A_44] : memref<327680xi32, #tpu.memory_space<hbm>> -> memref<128xi32, #tpu.memory_space<hbm>>
        %dma_wait3A_69 = tpu.memref_slice %arg4[%add3A_44] : memref<327680xi32, #tpu.memory_space<hbm>> -> memref<128xi32, #tpu.memory_space<hbm>>
        tpu.wait_dma2 semaphore(%run_scoped3A : memref<!tpu.dma_semaphore, #tpu.memory_space<semaphore_mem>>) src(%dma_wait3A_69 : memref<128xi32, #tpu.memory_space<hbm>>) dst(%arg9 : memref<128xi32, #tpu.memory_space<vmem>>)
        tpu.yield
      }) : () -> ()
      %dma_start3A_48 = arith.constant 0 : i32
      %dma_start3A_49 = arith.constant 0 : i32
      %dma_start3A_50 = tpu.memref_slice %arg2[%dma_start3A_48, %dma_start3A_49] : memref<10000x128xf32, #tpu.memory_space<hbm>> -> memref<10000x128xf32, #tpu.memory_space<hbm>>
      tpu.enqueue_indirect_dma source(%dma_start3A_50 : memref<10000x128xf32, #tpu.memory_space<hbm>>) target(%arg11 : memref<128x128xf32, #tpu.memory_space<vmem>>) offsets(%arg7 : memref<128xi32, #tpu.memory_space<vmem>>) semaphore(%arg14 : memref<!tpu.dma_semaphore, #tpu.memory_space<semaphore_mem>>)
      %mul3A_51 = arith.constant 2 : i32
      %mul3A_52 = arith.muli %scan3A_35, %mul3A_51 : i32
      %add3A_53 = arith.constant 1 : i32
      %add3A_54 = arith.addi %mul3A_52, %add3A_53 : i32
      %add3A_55 = arith.constant 2 : i32
      %add3A_56 = arith.addi %add3A_54, %add3A_55 : i32
      %mul3A_57 = arith.constant 128 : i32
      %mul3A_58 = arith.muli %add3A_56, %mul3A_57 : i32
      %add3A_59 = arith.addi %mul3A_2, %mul3A_58 : i32
      %dma_wait3A_60 = arith.constant 0 : i32
      %dma_wait3A_61 = arith.constant 0 : i32
      %dma_wait3A_62 = tpu.memref_slice %arg2[%dma_wait3A_60, %dma_wait3A_61] : memref<10000x128xf32, #tpu.memory_space<hbm>> -> memref<10000x128xf32, #tpu.memory_space<hbm>>
      tpu.wait_indirect_dma semaphore(%arg15 : memref<!tpu.dma_semaphore, #tpu.memory_space<semaphore_mem>>) src(%dma_wait3A_62 : memref<10000x128xf32, #tpu.memory_space<hbm>>) dst(%arg12 : memref<128x128xf32, #tpu.memory_space<vmem>>)
      "tpu.region"() ({
        %run_scoped3A = tpu.sem_alloc : memref<!tpu.dma_semaphore, #tpu.memory_space<semaphore_mem>>
        %dma_start3A_66 = arith.constant 0 : i32
        %dma_start3A_67 = arith.constant 0 : i32
        %dma_start3A_68 = tpu.memref_slice %arg13[%dma_start3A_66, %dma_start3A_67] : memref<10112x128xf32, #tpu.memory_space<vmem_shared>> -> memref<10112x128xf32, #tpu.memory_space<vmem_shared>>
        tpu.enqueue_indirect_dma source(%arg12 : memref<128x128xf32, #tpu.memory_space<vmem>>) target(%dma_start3A_68 : memref<10112x128xf32, #tpu.memory_space<vmem_shared>>) offsets(%arg10 : memref<128xi32, #tpu.memory_space<vmem>>) semaphore(%run_scoped3A : memref<!tpu.dma_semaphore, #tpu.memory_space<semaphore_mem>>) {add = true}
        %dma_wait3A_69 = arith.constant 0 : i32
        %dma_wait3A_70 = arith.constant 0 : i32
        %dma_wait3A_71 = tpu.memref_slice %arg13[%dma_wait3A_69, %dma_wait3A_70] : memref<10112x128xf32, #tpu.memory_space<vmem_shared>> -> memref<10112x128xf32, #tpu.memory_space<vmem_shared>>
        tpu.wait_indirect_dma semaphore(%run_scoped3A : memref<!tpu.dma_semaphore, #tpu.memory_space<semaphore_mem>>) src(%arg12 : memref<128x128xf32, #tpu.memory_space<vmem>>) dst(%dma_wait3A_71 : memref<10112x128xf32, #tpu.memory_space<vmem_shared>>)
        tpu.yield
      }) : () -> ()
      "tpu.region"() ({
        %run_scoped3A = tpu.sem_alloc : memref<!tpu.dma_semaphore, #tpu.memory_space<semaphore_mem>>
        %dma_start3A_66 = tpu.memref_slice %arg3[%add3A_59] : memref<327680xi32, #tpu.memory_space<hbm>> -> memref<128xi32, #tpu.memory_space<hbm>>
        %dma_start3A_67 = tpu.memref_slice %arg3[%add3A_59] : memref<327680xi32, #tpu.memory_space<hbm>> -> memref<128xi32, #tpu.memory_space<hbm>>
        tpu.enqueue_dma source(%dma_start3A_67 : memref<128xi32, #tpu.memory_space<hbm>>) target(%arg8 : memref<128xi32, #tpu.memory_space<vmem>>) target_semaphore(%run_scoped3A : memref<!tpu.dma_semaphore, #tpu.memory_space<semaphore_mem>>)
        %dma_wait3A_68 = tpu.memref_slice %arg3[%add3A_59] : memref<327680xi32, #tpu.memory_space<hbm>> -> memref<128xi32, #tpu.memory_space<hbm>>
        %dma_wait3A_69 = tpu.memref_slice %arg3[%add3A_59] : memref<327680xi32, #tpu.memory_space<hbm>> -> memref<128xi32, #tpu.memory_space<hbm>>
        tpu.wait_dma2 semaphore(%run_scoped3A : memref<!tpu.dma_semaphore, #tpu.memory_space<semaphore_mem>>) src(%dma_wait3A_69 : memref<128xi32, #tpu.memory_space<hbm>>) dst(%arg8 : memref<128xi32, #tpu.memory_space<vmem>>)
        tpu.yield
      }) : () -> ()
      "tpu.region"() ({
        %run_scoped3A = tpu.sem_alloc : memref<!tpu.dma_semaphore, #tpu.memory_space<semaphore_mem>>
        %dma_start3A_66 = tpu.memref_slice %arg4[%add3A_59] : memref<327680xi32, #tpu.memory_space<hbm>> -> memref<128xi32, #tpu.memory_space<hbm>>
        %dma_start3A_67 = tpu.memref_slice %arg4[%add3A_59] : memref<327680xi32, #tpu.memory_space<hbm>> -> memref<128xi32, #tpu.memory_space<hbm>>
        tpu.enqueue_dma source(%dma_start3A_67 : memref<128xi32, #tpu.memory_space<hbm>>) target(%arg10 : memref<128xi32, #tpu.memory_space<vmem>>) target_semaphore(%run_scoped3A : memref<!tpu.dma_semaphore, #tpu.memory_space<semaphore_mem>>)
        %dma_wait3A_68 = tpu.memref_slice %arg4[%add3A_59] : memref<327680xi32, #tpu.memory_space<hbm>> -> memref<128xi32, #tpu.memory_space<hbm>>
        %dma_wait3A_69 = tpu.memref_slice %arg4[%add3A_59] : memref<327680xi32, #tpu.memory_space<hbm>> -> memref<128xi32, #tpu.memory_space<hbm>>
        tpu.wait_dma2 semaphore(%run_scoped3A : memref<!tpu.dma_semaphore, #tpu.memory_space<semaphore_mem>>) src(%dma_wait3A_69 : memref<128xi32, #tpu.memory_space<hbm>>) dst(%arg10 : memref<128xi32, #tpu.memory_space<vmem>>)
        tpu.yield
      }) : () -> ()
      %dma_start3A_63 = arith.constant 0 : i32
      %dma_start3A_64 = arith.constant 0 : i32
      %dma_start3A_65 = tpu.memref_slice %arg2[%dma_start3A_63, %dma_start3A_64] : memref<10000x128xf32, #tpu.memory_space<hbm>> -> memref<10000x128xf32, #tpu.memory_space<hbm>>
      tpu.enqueue_indirect_dma source(%dma_start3A_65 : memref<10000x128xf32, #tpu.memory_space<hbm>>) target(%arg12 : memref<128x128xf32, #tpu.memory_space<vmem>>) offsets(%arg8 : memref<128xi32, #tpu.memory_space<vmem>>) semaphore(%arg15 : memref<!tpu.dma_semaphore, #tpu.memory_space<semaphore_mem>>)
    }
    %scan3A_24 = arith.constant 39 : i32
    %dma_wait3A = arith.constant 0 : i32
    %dma_wait3A_25 = arith.constant 0 : i32
    %dma_wait3A_26 = tpu.memref_slice %arg2[%dma_wait3A, %dma_wait3A_25] : memref<10000x128xf32, #tpu.memory_space<hbm>> -> memref<10000x128xf32, #tpu.memory_space<hbm>>
    tpu.wait_indirect_dma semaphore(%arg14 : memref<!tpu.dma_semaphore, #tpu.memory_space<semaphore_mem>>) src(%dma_wait3A_26 : memref<10000x128xf32, #tpu.memory_space<hbm>>) dst(%arg11 : memref<128x128xf32, #tpu.memory_space<vmem>>)
    "tpu.region"() ({
      %run_scoped3A = tpu.sem_alloc : memref<!tpu.dma_semaphore, #tpu.memory_space<semaphore_mem>>
      %dma_start3A_35 = arith.constant 0 : i32
      %dma_start3A_36 = arith.constant 0 : i32
      %dma_start3A_37 = tpu.memref_slice %arg13[%dma_start3A_35, %dma_start3A_36] : memref<10112x128xf32, #tpu.memory_space<vmem_shared>> -> memref<10112x128xf32, #tpu.memory_space<vmem_shared>>
      tpu.enqueue_indirect_dma source(%arg11 : memref<128x128xf32, #tpu.memory_space<vmem>>) target(%dma_start3A_37 : memref<10112x128xf32, #tpu.memory_space<vmem_shared>>) offsets(%arg9 : memref<128xi32, #tpu.memory_space<vmem>>) semaphore(%run_scoped3A : memref<!tpu.dma_semaphore, #tpu.memory_space<semaphore_mem>>) {add = true}
      %dma_wait3A_38 = arith.constant 0 : i32
      %dma_wait3A_39 = arith.constant 0 : i32
      %dma_wait3A_40 = tpu.memref_slice %arg13[%dma_wait3A_38, %dma_wait3A_39] : memref<10112x128xf32, #tpu.memory_space<vmem_shared>> -> memref<10112x128xf32, #tpu.memory_space<vmem_shared>>
      tpu.wait_indirect_dma semaphore(%run_scoped3A : memref<!tpu.dma_semaphore, #tpu.memory_space<semaphore_mem>>) src(%arg11 : memref<128x128xf32, #tpu.memory_space<vmem>>) dst(%dma_wait3A_40 : memref<10112x128xf32, #tpu.memory_space<vmem_shared>>)
      tpu.yield
    }) : () -> ()
    %dma_wait3A_27 = arith.constant 0 : i32
    %dma_wait3A_28 = arith.constant 0 : i32
    %dma_wait3A_29 = tpu.memref_slice %arg2[%dma_wait3A_27, %dma_wait3A_28] : memref<10000x128xf32, #tpu.memory_space<hbm>> -> memref<10000x128xf32, #tpu.memory_space<hbm>>
    tpu.wait_indirect_dma semaphore(%arg15 : memref<!tpu.dma_semaphore, #tpu.memory_space<semaphore_mem>>) src(%dma_wait3A_29 : memref<10000x128xf32, #tpu.memory_space<hbm>>) dst(%arg12 : memref<128x128xf32, #tpu.memory_space<vmem>>)
    "tpu.region"() ({
      %run_scoped3A = tpu.sem_alloc : memref<!tpu.dma_semaphore, #tpu.memory_space<semaphore_mem>>
      %dma_start3A_35 = arith.constant 0 : i32
      %dma_start3A_36 = arith.constant 0 : i32
      %dma_start3A_37 = tpu.memref_slice %arg13[%dma_start3A_35, %dma_start3A_36] : memref<10112x128xf32, #tpu.memory_space<vmem_shared>> -> memref<10112x128xf32, #tpu.memory_space<vmem_shared>>
      tpu.enqueue_indirect_dma source(%arg12 : memref<128x128xf32, #tpu.memory_space<vmem>>) target(%dma_start3A_37 : memref<10112x128xf32, #tpu.memory_space<vmem_shared>>) offsets(%arg10 : memref<128xi32, #tpu.memory_space<vmem>>) semaphore(%run_scoped3A : memref<!tpu.dma_semaphore, #tpu.memory_space<semaphore_mem>>) {add = true}
      %dma_wait3A_38 = arith.constant 0 : i32
      %dma_wait3A_39 = arith.constant 0 : i32
      %dma_wait3A_40 = tpu.memref_slice %arg13[%dma_wait3A_38, %dma_wait3A_39] : memref<10112x128xf32, #tpu.memory_space<vmem_shared>> -> memref<10112x128xf32, #tpu.memory_space<vmem_shared>>
      tpu.wait_indirect_dma semaphore(%run_scoped3A : memref<!tpu.dma_semaphore, #tpu.memory_space<semaphore_mem>>) src(%arg12 : memref<128x128xf32, #tpu.memory_space<vmem>>) dst(%dma_wait3A_40 : memref<10112x128xf32, #tpu.memory_space<vmem_shared>>)
      tpu.yield
    }) : () -> ()
    %barrier3A_30 = arith.constant 0 : index
    tpu.barrier barrier_id(%barrier3A_30)
    %mul3A_31 = arith.constant 632 : i32
    %mul3A_32 = arith.muli %arg1, %mul3A_31 : i32
    %mul3A_33 = arith.constant 632 : i32
    %mul3A_34 = arith.muli %arg1, %mul3A_33 : i32
    "tpu.region"() ({
      %run_scoped3A = tpu.sem_alloc : memref<!tpu.dma_semaphore, #tpu.memory_space<semaphore_mem>>
      %dma_start3A_35 = arith.constant 0 : i32
      %dma_start3A_36 = tpu.memref_slice %arg6[%arg0, %mul3A_34, %dma_start3A_35] : memref<2x10112x128xf32, #tpu.memory_space<hbm>> -> memref<1x632x128xf32, #tpu.memory_space<hbm>>
      %dma_start3A_37 = tpu.memref_squeeze %dma_start3A_36 : memref<1x632x128xf32, #tpu.memory_space<hbm>> -> memref<632x128xf32, #tpu.memory_space<hbm>>
      %dma_start3A_38 = arith.constant 0 : i32
      %dma_start3A_39 = tpu.memref_slice %arg13[%mul3A_32, %dma_start3A_38] : memref<10112x128xf32, #tpu.memory_space<vmem_shared>> -> memref<632x128xf32, #tpu.memory_space<vmem_shared>>
      tpu.enqueue_dma source(%dma_start3A_39 : memref<632x128xf32, #tpu.memory_space<vmem_shared>>) target(%dma_start3A_37 : memref<632x128xf32, #tpu.memory_space<hbm>>) target_semaphore(%run_scoped3A : memref<!tpu.dma_semaphore, #tpu.memory_space<semaphore_mem>>)
      %dma_wait3A_40 = arith.constant 0 : i32
      %dma_wait3A_41 = tpu.memref_slice %arg6[%arg0, %mul3A_34, %dma_wait3A_40] : memref<2x10112x128xf32, #tpu.memory_space<hbm>> -> memref<1x632x128xf32, #tpu.memory_space<hbm>>
      %dma_wait3A_42 = tpu.memref_squeeze %dma_wait3A_41 : memref<1x632x128xf32, #tpu.memory_space<hbm>> -> memref<632x128xf32, #tpu.memory_space<hbm>>
      %dma_wait3A_43 = arith.constant 0 : i32
      %dma_wait3A_44 = tpu.memref_slice %arg13[%mul3A_32, %dma_wait3A_43] : memref<10112x128xf32, #tpu.memory_space<vmem_shared>> -> memref<632x128xf32, #tpu.memory_space<vmem_shared>>
      tpu.wait_dma2 semaphore(%run_scoped3A : memref<!tpu.dma_semaphore, #tpu.memory_space<semaphore_mem>>) src(%dma_wait3A_44 : memref<632x128xf32, #tpu.memory_space<vmem_shared>>) dst(%dma_wait3A_42 : memref<632x128xf32, #tpu.memory_space<hbm>>)
      tpu.yield
    }) : () -> ()
    return
  }
}

module attributes {stable_mosaic.version = 14 : i64} {
  func.func @_mm1_body(%arg0: i32, %arg1: memref<2000x128xf32, #tpu.memory_space<vmem>>, %arg2: memref<128x128xf32, #tpu.memory_space<vmem>>, %arg3: memref<2x2000x128xf32, #tpu.memory_space<vmem>>, %arg4: memref<2000x128xf32, #tpu.memory_space<vmem>>, %arg5: memref<2000x1xf32, #tpu.memory_space<vmem>>) attributes {dimension_semantics = [#tpu.dimension_semantics<arbitrary>], iteration_bounds = array<i64: 5>, scalar_prefetch = 0 : i64, scratch_operands = 0 : i64, tpu.core_type = #tpu.core_type<tc>, window_params = [{transform_indices = @transform_0, window_bounds = array<i64: 2000, 128>}, {pipeline_mode = #tpu.pipeline_mode<synchronous>, transform_indices = @transform_1, window_bounds = array<i64: 128, 128>}, {transform_indices = @transform_2, window_bounds = array<i64: 2, 2000, 128>}, {transform_indices = @transform_3, window_bounds = array<i64: 2000, 128>}, {transform_indices = @transform_4, window_bounds = array<i64: 2000, 1>}]} {
    %get3A = arith.constant 0 : index
    %get3A_0 = arith.constant 0 : index
    %get3A_1 = arith.constant 0 : index
    %get3A_2 = vector.load %arg3[%get3A, %get3A_0, %get3A_1] : memref<2x2000x128xf32, #tpu.memory_space<vmem>>, vector<1x2000x1xf32>
    %get3A_3 = vector.shape_cast %get3A_2 : vector<1x2000x1xf32> to vector<2000x1xf32>
    %get3A_4 = arith.constant 1 : index
    %get3A_5 = arith.constant 0 : index
    %get3A_6 = arith.constant 0 : index
    %get3A_7 = vector.load %arg3[%get3A_4, %get3A_5, %get3A_6] : memref<2x2000x128xf32, #tpu.memory_space<vmem>>, vector<1x2000x1xf32>
    %get3A_8 = vector.shape_cast %get3A_7 : vector<1x2000x1xf32> to vector<2000x1xf32>
    %add3A = arith.addf %get3A_3, %get3A_8 : vector<2000x1xf32>
    %add3A_9 = arith.constant 1.000000e+00 : f32
    %add3A_10 = vector.broadcast %add3A_9 : f32 to vector<2000x1xf32>
    %add3A_11 = arith.addf %add3A, %add3A_10 : vector<2000x1xf32>
    %rsqrt3A = math.rsqrt %add3A_11 : vector<2000x1xf32>
    %swap3A = arith.constant 0 : index
    %swap3A_12 = arith.constant 0 : index
    %swap3A_13 = vector.load %arg5[%swap3A, %swap3A_12] : memref<2000x1xf32, #tpu.memory_space<vmem>>, vector<2000x1xf32>
    tpu.vector_store %arg5[%swap3A, %swap3A_12], %rsqrt3A {strides = array<i32>} : memref<2000x1xf32, #tpu.memory_space<vmem>>, vector<2000x1xf32>,
    %get3A_14 = arith.constant 0 : index
    %get3A_15 = arith.constant 0 : index
    %get3A_16 = vector.load %arg1[%get3A_14, %get3A_15] : memref<2000x128xf32, #tpu.memory_space<vmem>>, vector<2000x128xf32>
    %get3A_17 = arith.constant 0 : index
    %get3A_18 = arith.constant 0 : index
    %get3A_19 = vector.load %arg2[%get3A_17, %get3A_18] : memref<128x128xf32, #tpu.memory_space<vmem>>, vector<128x128xf32>
    %dot_general3A = arith.constant dense<0.000000e+00> : vector<2000x128xf32>
    %dot_general3A_20 = tpu.matmul %get3A_16, %get3A_19, %dot_general3A {dimension_numbers = #tpu.dot_dimension_numbers<[1], [0], [0], [1], [0, 0, 1, 1], [], []>, transpose_lhs_hint = false} : vector<2000x128xf32>, vector<128x128xf32>, vector<2000x128xf32> -> vector<2000x128xf32>
    %mul3A = vector.broadcast %rsqrt3A : vector<2000x1xf32> to vector<2000x128xf32>
    %mul3A_21 = arith.mulf %dot_general3A_20, %mul3A : vector<2000x128xf32>
    %swap3A_22 = arith.constant 0 : index
    %swap3A_23 = arith.constant 0 : index
    %swap3A_24 = vector.load %arg4[%swap3A_22, %swap3A_23] : memref<2000x128xf32, #tpu.memory_space<vmem>>, vector<2000x128xf32>
    tpu.vector_store %arg4[%swap3A_22, %swap3A_23], %mul3A_21 {strides = array<i32>} : memref<2000x128xf32, #tpu.memory_space<vmem>>, vector<2000x128xf32>,
    return
  }
  func.func @transform_0(%arg0: i32) -> (i32, i32) {
    %c0_i32 = arith.constant 0 : i32
    %c0_i32_0 = arith.constant 0 : i32
    return %arg0, %c0_i32 : i32, i32
  }
  func.func @transform_1(%arg0: i32) -> (i32, i32) {
    %c0_i32 = arith.constant 0 : i32
    %c0_i32_0 = arith.constant 0 : i32
    %c0_i32_1 = arith.constant 0 : i32
    return %c0_i32, %c0_i32_0 : i32, i32
  }
  func.func @transform_2(%arg0: i32) -> (i32, i32, i32) {
    %c0_i32 = arith.constant 0 : i32
    %c0_i32_0 = arith.constant 0 : i32
    %c0_i32_1 = arith.constant 0 : i32
    return %c0_i32, %arg0, %c0_i32_0 : i32, i32, i32
  }
  func.func @transform_3(%arg0: i32) -> (i32, i32) {
    %c0_i32 = arith.constant 0 : i32
    %c0_i32_0 = arith.constant 0 : i32
    return %arg0, %c0_i32 : i32, i32
  }
  func.func @transform_4(%arg0: i32) -> (i32, i32) {
    %c0_i32 = arith.constant 0 : i32
    %c0_i32_0 = arith.constant 0 : i32
    return %arg0, %c0_i32 : i32, i32
  }
}

module attributes {stable_mosaic.version = 14 : i64} {
  func.func @_mid_body(%arg0: i32, %arg1: memref<2x2000x128xf32, #tpu.memory_space<vmem>>, %arg2: memref<2000x128xf32, #tpu.memory_space<vmem>>, %arg3: memref<2000x1xf32, #tpu.memory_space<vmem>>, %arg4: memref<1x128xf32, #tpu.memory_space<vmem>>, %arg5: memref<128x128xf32, #tpu.memory_space<vmem>>, %arg6: memref<2000x128xf32, #tpu.memory_space<vmem>>) attributes {dimension_semantics = [#tpu.dimension_semantics<arbitrary>], iteration_bounds = array<i64: 5>, scalar_prefetch = 0 : i64, scratch_operands = 0 : i64, tpu.core_type = #tpu.core_type<tc>, window_params = [{transform_indices = @transform_0, window_bounds = array<i64: 2, 2000, 128>}, {transform_indices = @transform_1, window_bounds = array<i64: 2000, 128>}, {transform_indices = @transform_2, window_bounds = array<i64: 2000, 1>}, {pipeline_mode = #tpu.pipeline_mode<synchronous>, transform_indices = @transform_3, window_bounds = array<i64: 1, 128>}, {pipeline_mode = #tpu.pipeline_mode<synchronous>, transform_indices = @transform_4, window_bounds = array<i64: 128, 128>}, {transform_indices = @transform_5, window_bounds = array<i64: 2000, 128>}]} {
    %get3A = arith.constant 0 : index
    %get3A_0 = arith.constant 0 : index
    %get3A_1 = vector.load %arg3[%get3A, %get3A_0] : memref<2000x1xf32, #tpu.memory_space<vmem>>, vector<2000x1xf32>
    %get3A_2 = arith.constant 0 : index
    %get3A_3 = arith.constant 0 : index
    %get3A_4 = arith.constant 0 : index
    %get3A_5 = vector.load %arg1[%get3A_2, %get3A_3, %get3A_4] : memref<2x2000x128xf32, #tpu.memory_space<vmem>>, vector<1x2000x128xf32>
    %get3A_6 = vector.shape_cast %get3A_5 : vector<1x2000x128xf32> to vector<2000x128xf32>
    %get3A_7 = arith.constant 1 : index
    %get3A_8 = arith.constant 0 : index
    %get3A_9 = arith.constant 0 : index
    %get3A_10 = vector.load %arg1[%get3A_7, %get3A_8, %get3A_9] : memref<2x2000x128xf32, #tpu.memory_space<vmem>>, vector<1x2000x128xf32>
    %get3A_11 = vector.shape_cast %get3A_10 : vector<1x2000x128xf32> to vector<2000x128xf32>
    %add3A = arith.addf %get3A_6, %get3A_11 : vector<2000x128xf32>
    %get3A_12 = arith.constant 0 : index
    %get3A_13 = arith.constant 0 : index
    %get3A_14 = vector.load %arg2[%get3A_12, %get3A_13] : memref<2000x128xf32, #tpu.memory_space<vmem>>, vector<2000x128xf32>
    %add3A_15 = arith.addf %add3A, %get3A_14 : vector<2000x128xf32>
    %mul3A = vector.broadcast %get3A_1 : vector<2000x1xf32> to vector<2000x128xf32>
    %mul3A_16 = arith.mulf %add3A_15, %mul3A : vector<2000x128xf32>
    %get3A_17 = arith.constant 0 : index
    %get3A_18 = arith.constant 0 : index
    %get3A_19 = vector.load %arg4[%get3A_17, %get3A_18] : memref<1x128xf32, #tpu.memory_space<vmem>>, vector<1x128xf32>
    %add3A_20 = vector.broadcast %get3A_19 : vector<1x128xf32> to vector<2000x128xf32>
    %add3A_21 = arith.addf %mul3A_16, %add3A_20 : vector<2000x128xf32>
    %max3A = arith.constant 0.000000e+00 : f32
    %max3A_22 = vector.broadcast %max3A : f32 to vector<2000x128xf32>
    %max3A_23 = arith.maximumf %add3A_21, %max3A_22 : vector<2000x128xf32>
    %get3A_24 = arith.constant 0 : index
    %get3A_25 = arith.constant 0 : index
    %get3A_26 = vector.load %arg5[%get3A_24, %get3A_25] : memref<128x128xf32, #tpu.memory_space<vmem>>, vector<128x128xf32>
    %dot_general3A = arith.constant dense<0.000000e+00> : vector<2000x128xf32>
    %dot_general3A_27 = tpu.matmul %max3A_23, %get3A_26, %dot_general3A {dimension_numbers = #tpu.dot_dimension_numbers<[1], [0], [0], [1], [0, 0, 1, 1], [], []>, transpose_lhs_hint = false} : vector<2000x128xf32>, vector<128x128xf32>, vector<2000x128xf32> -> vector<2000x128xf32>
    %mul3A_28 = vector.broadcast %get3A_1 : vector<2000x1xf32> to vector<2000x128xf32>
    %mul3A_29 = arith.mulf %dot_general3A_27, %mul3A_28 : vector<2000x128xf32>
    %swap3A = arith.constant 0 : index
    %swap3A_30 = arith.constant 0 : index
    %swap3A_31 = vector.load %arg6[%swap3A, %swap3A_30] : memref<2000x128xf32, #tpu.memory_space<vmem>>, vector<2000x128xf32>
    tpu.vector_store %arg6[%swap3A, %swap3A_30], %mul3A_29 {strides = array<i32>} : memref<2000x128xf32, #tpu.memory_space<vmem>>, vector<2000x128xf32>,
    return
  }
  func.func @transform_0(%arg0: i32) -> (i32, i32, i32) {
    %c0_i32 = arith.constant 0 : i32
    %c0_i32_0 = arith.constant 0 : i32
    %c0_i32_1 = arith.constant 0 : i32
    return %c0_i32, %arg0, %c0_i32_0 : i32, i32, i32
  }
  func.func @transform_1(%arg0: i32) -> (i32, i32) {
    %c0_i32 = arith.constant 0 : i32
    %c0_i32_0 = arith.constant 0 : i32
    return %arg0, %c0_i32 : i32, i32
  }
  func.func @transform_2(%arg0: i32) -> (i32, i32) {
    %c0_i32 = arith.constant 0 : i32
    %c0_i32_0 = arith.constant 0 : i32
    return %arg0, %c0_i32 : i32, i32
  }
  func.func @transform_3(%arg0: i32) -> (i32, i32) {
    %c0_i32 = arith.constant 0 : i32
    %c0_i32_0 = arith.constant 0 : i32
    %c0_i32_1 = arith.constant 0 : i32
    return %c0_i32, %c0_i32_0 : i32, i32
  }
  func.func @transform_4(%arg0: i32) -> (i32, i32) {
    %c0_i32 = arith.constant 0 : i32
    %c0_i32_0 = arith.constant 0 : i32
    %c0_i32_1 = arith.constant 0 : i32
    return %c0_i32, %c0_i32_0 : i32, i32
  }
  func.func @transform_5(%arg0: i32) -> (i32, i32) {
    %c0_i32 = arith.constant 0 : i32
    %c0_i32_0 = arith.constant 0 : i32
    return %arg0, %c0_i32 : i32, i32
  }
}

module attributes {stable_mosaic.version = 14 : i64} {
  func.func @_fin_body(%arg0: i32, %arg1: memref<2x2000x128xf32, #tpu.memory_space<vmem>>, %arg2: memref<2000x128xf32, #tpu.memory_space<vmem>>, %arg3: memref<2000x1xf32, #tpu.memory_space<vmem>>, %arg4: memref<1x128xf32, #tpu.memory_space<vmem>>, %arg5: memref<2000x1xf32, #tpu.memory_space<vmem>>, %arg6: memref<1x128xf32, #tpu.memory_space<vmem>>, %arg7: memref<1x128xf32, #tpu.memory_space<vmem>>, %arg8: memref<128x128xf32, #tpu.memory_space<vmem>>, %arg9: memref<1x128xf32, #tpu.memory_space<vmem>>, %arg10: memref<128x4xf32, #tpu.memory_space<vmem>>, %arg11: memref<128x4xf32, #tpu.memory_space<vmem>>, %arg12: memref<1x4xf32, #tpu.memory_space<vmem>>, %arg13: memref<2000x4xf32, #tpu.memory_space<vmem>>) attributes {dimension_semantics = [#tpu.dimension_semantics<arbitrary>], iteration_bounds = array<i64: 5>, scalar_prefetch = 0 : i64, scratch_operands = 0 : i64, tpu.core_type = #tpu.core_type<tc>, window_params = [{transform_indices = @transform_0, window_bounds = array<i64: 2, 2000, 128>}, {transform_indices = @transform_1, window_bounds = array<i64: 2000, 128>}, {transform_indices = @transform_2, window_bounds = array<i64: 2000, 1>}, {pipeline_mode = #tpu.pipeline_mode<synchronous>, transform_indices = @transform_3, window_bounds = array<i64: 1, 128>}, {transform_indices = @transform_4, window_bounds = array<i64: 2000, 1>}, {pipeline_mode = #tpu.pipeline_mode<synchronous>, transform_indices = @transform_5, window_bounds = array<i64: 1, 128>}, {pipeline_mode = #tpu.pipeline_mode<synchronous>, transform_indices = @transform_6, window_bounds = array<i64: 1, 128>}, {pipeline_mode = #tpu.pipeline_mode<synchronous>, transform_indices = @transform_7, window_bounds = array<i64: 128, 128>}, {pipeline_mode = #tpu.pipeline_mode<synchronous>, transform_indices = @transform_8, window_bounds = array<i64: 1, 128>}, {pipeline_mode = #tpu.pipeline_mode<synchronous>, transform_indices = @transform_9, window_bounds = array<i64: 128, 4>}, {pipeline_mode = #tpu.pipeline_mode<synchronous>, transform_indices = @transform_10, window_bounds = array<i64: 128, 4>}, {pipeline_mode = #tpu.pipeline_mode<synchronous>, transform_indices = @transform_11, window_bounds = array<i64: 1, 4>}, {transform_indices = @transform_12, window_bounds = array<i64: 2000, 4>}]} {
    %get3A = arith.constant 0 : index
    %get3A_0 = arith.constant 0 : index
    %get3A_1 = vector.load %arg3[%get3A, %get3A_0] : memref<2000x1xf32, #tpu.memory_space<vmem>>, vector<2000x1xf32>
    %get3A_2 = arith.constant 0 : index
    %get3A_3 = arith.constant 0 : index
    %get3A_4 = arith.constant 0 : index
    %get3A_5 = vector.load %arg1[%get3A_2, %get3A_3, %get3A_4] : memref<2x2000x128xf32, #tpu.memory_space<vmem>>, vector<1x2000x128xf32>
    %get3A_6 = vector.shape_cast %get3A_5 : vector<1x2000x128xf32> to vector<2000x128xf32>
    %get3A_7 = arith.constant 1 : index
    %get3A_8 = arith.constant 0 : index
    %get3A_9 = arith.constant 0 : index
    %get3A_10 = vector.load %arg1[%get3A_7, %get3A_8, %get3A_9] : memref<2x2000x128xf32, #tpu.memory_space<vmem>>, vector<1x2000x128xf32>
    %get3A_11 = vector.shape_cast %get3A_10 : vector<1x2000x128xf32> to vector<2000x128xf32>
    %add3A = arith.addf %get3A_6, %get3A_11 : vector<2000x128xf32>
    %get3A_12 = arith.constant 0 : index
    %get3A_13 = arith.constant 0 : index
    %get3A_14 = vector.load %arg2[%get3A_12, %get3A_13] : memref<2000x128xf32, #tpu.memory_space<vmem>>, vector<2000x128xf32>
    %add3A_15 = arith.addf %add3A, %get3A_14 : vector<2000x128xf32>
    %mul3A = vector.broadcast %get3A_1 : vector<2000x1xf32> to vector<2000x128xf32>
    %mul3A_16 = arith.mulf %add3A_15, %mul3A : vector<2000x128xf32>
    %get3A_17 = arith.constant 0 : index
    %get3A_18 = arith.constant 0 : index
    %get3A_19 = vector.load %arg4[%get3A_17, %get3A_18] : memref<1x128xf32, #tpu.memory_space<vmem>>, vector<1x128xf32>
    %add3A_20 = vector.broadcast %get3A_19 : vector<1x128xf32> to vector<2000x128xf32>
    %add3A_21 = arith.addf %mul3A_16, %add3A_20 : vector<2000x128xf32>
    %max3A = arith.constant 0.000000e+00 : f32
    %max3A_22 = vector.broadcast %max3A : f32 to vector<2000x128xf32>
    %max3A_23 = arith.maximumf %add3A_21, %max3A_22 : vector<2000x128xf32>
    %get3A_24 = arith.constant 0 : index
    %get3A_25 = arith.constant 0 : index
    %get3A_26 = vector.load %arg5[%get3A_24, %get3A_25] : memref<2000x1xf32, #tpu.memory_space<vmem>>, vector<2000x1xf32>
    %get3A_27 = arith.constant 0 : index
    %get3A_28 = arith.constant 0 : index
    %get3A_29 = vector.load %arg6[%get3A_27, %get3A_28] : memref<1x128xf32, #tpu.memory_space<vmem>>, vector<1x128xf32>
    %mul3A_30 = vector.broadcast %get3A_26 : vector<2000x1xf32> to vector<2000x128xf32>
    %mul3A_31 = vector.broadcast %get3A_29 : vector<1x128xf32> to vector<2000x128xf32>
    %mul3A_32 = arith.mulf %mul3A_30, %mul3A_31 : vector<2000x128xf32>
    %get3A_33 = arith.constant 0 : index
    %get3A_34 = arith.constant 0 : index
    %get3A_35 = vector.load %arg7[%get3A_33, %get3A_34] : memref<1x128xf32, #tpu.memory_space<vmem>>, vector<1x128xf32>
    %add3A_36 = vector.broadcast %get3A_35 : vector<1x128xf32> to vector<2000x128xf32>
    %add3A_37 = arith.addf %mul3A_32, %add3A_36 : vector<2000x128xf32>
    %max3A_38 = arith.constant 0.000000e+00 : f32
    %max3A_39 = vector.broadcast %max3A_38 : f32 to vector<2000x128xf32>
    %max3A_40 = arith.maximumf %add3A_37, %max3A_39 : vector<2000x128xf32>
    %get3A_41 = arith.constant 0 : index
    %get3A_42 = arith.constant 0 : index
    %get3A_43 = vector.load %arg8[%get3A_41, %get3A_42] : memref<128x128xf32, #tpu.memory_space<vmem>>, vector<128x128xf32>
    %dot_general3A = arith.constant dense<0.000000e+00> : vector<2000x128xf32>
    %dot_general3A_44 = tpu.matmul %max3A_40, %get3A_43, %dot_general3A {dimension_numbers = #tpu.dot_dimension_numbers<[1], [0], [0], [1], [0, 0, 1, 1], [], []>, transpose_lhs_hint = false} : vector<2000x128xf32>, vector<128x128xf32>, vector<2000x128xf32> -> vector<2000x128xf32>
    %get3A_45 = arith.constant 0 : index
    %get3A_46 = arith.constant 0 : index
    %get3A_47 = vector.load %arg9[%get3A_45, %get3A_46] : memref<1x128xf32, #tpu.memory_space<vmem>>, vector<1x128xf32>
    %add3A_48 = vector.broadcast %get3A_47 : vector<1x128xf32> to vector<2000x128xf32>
    %add3A_49 = arith.addf %dot_general3A_44, %add3A_48 : vector<2000x128xf32>
    %get3A_50 = arith.constant 0 : index
    %get3A_51 = arith.constant 0 : index
    %get3A_52 = vector.load %arg10[%get3A_50, %get3A_51] : memref<128x4xf32, #tpu.memory_space<vmem>>, vector<128x4xf32>
    %dot_general3A_53 = arith.constant dense<0.000000e+00> : vector<2000x4xf32>
    %dot_general3A_54 = tpu.matmul %max3A_23, %get3A_52, %dot_general3A_53 {dimension_numbers = #tpu.dot_dimension_numbers<[1], [0], [0], [1], [0, 0, 1, 1], [], []>, transpose_lhs_hint = false} : vector<2000x128xf32>, vector<128x4xf32>, vector<2000x4xf32> -> vector<2000x4xf32>
    %get3A_55 = arith.constant 0 : index
    %get3A_56 = arith.constant 0 : index
    %get3A_57 = vector.load %arg11[%get3A_55, %get3A_56] : memref<128x4xf32, #tpu.memory_space<vmem>>, vector<128x4xf32>
    %dot_general3A_58 = arith.constant dense<0.000000e+00> : vector<2000x4xf32>
    %dot_general3A_59 = tpu.matmul %add3A_49, %get3A_57, %dot_general3A_58 {dimension_numbers = #tpu.dot_dimension_numbers<[1], [0], [0], [1], [0, 0, 1, 1], [], []>, transpose_lhs_hint = false} : vector<2000x128xf32>, vector<128x4xf32>, vector<2000x4xf32> -> vector<2000x4xf32>
    %add3A_60 = arith.addf %dot_general3A_54, %dot_general3A_59 : vector<2000x4xf32>
    %get3A_61 = arith.constant 0 : index
    %get3A_62 = arith.constant 0 : index
    %get3A_63 = vector.load %arg12[%get3A_61, %get3A_62] : memref<1x4xf32, #tpu.memory_space<vmem>>, vector<1x4xf32>
    %add3A_64 = vector.broadcast %get3A_63 : vector<1x4xf32> to vector<2000x4xf32>
    %add3A_65 = arith.addf %add3A_60, %add3A_64 : vector<2000x4xf32>
    %reduce_max3A = arith.constant dense<0xFF800000> : vector<2000xf32>
    %reduce_max3A_66 = vector.multi_reduction <maximumf>, %add3A_65, %reduce_max3A [1] : vector<2000x4xf32> to vector<2000xf32>
    %broadcast_in_dim3A = vector.shape_cast %reduce_max3A_66 : vector<2000xf32> to vector<2000x1xf32>
    %sub3A = vector.broadcast %broadcast_in_dim3A : vector<2000x1xf32> to vector<2000x4xf32>
    %sub3A_67 = arith.subf %add3A_65, %sub3A : vector<2000x4xf32>
    %exp3A = math.exp %sub3A_67 : vector<2000x4xf32>
    %reduce_sum3A = arith.constant dense<0.000000e+00> : vector<2000xf32>
    %reduce_sum3A_68 = vector.multi_reduction <add>, %exp3A, %reduce_sum3A [1] : vector<2000x4xf32> to vector<2000xf32>
    %broadcast_in_dim3A_69 = vector.shape_cast %reduce_sum3A_68 : vector<2000xf32> to vector<2000x1xf32>
    %sub3A_70 = vector.broadcast %broadcast_in_dim3A : vector<2000x1xf32> to vector<2000x4xf32>
    %sub3A_71 = arith.subf %add3A_65, %sub3A_70 : vector<2000x4xf32>
    %log3A = math.log %broadcast_in_dim3A_69 : vector<2000x1xf32>
    %sub3A_72 = vector.broadcast %log3A : vector<2000x1xf32> to vector<2000x4xf32>
    %sub3A_73 = arith.subf %sub3A_71, %sub3A_72 : vector<2000x4xf32>
    %swap3A = arith.constant 0 : index
    %swap3A_74 = arith.constant 0 : index
    %swap3A_75 = vector.load %arg13[%swap3A, %swap3A_74] : memref<2000x4xf32, #tpu.memory_space<vmem>>, vector<2000x4xf32>
    tpu.vector_store %arg13[%swap3A, %swap3A_74], %sub3A_73 {strides = array<i32>} : memref<2000x4xf32, #tpu.memory_space<vmem>>, vector<2000x4xf32>,
    return
  }
  func.func @transform_0(%arg0: i32) -> (i32, i32, i32) {
    %c0_i32 = arith.constant 0 : i32
    %c0_i32_0 = arith.constant 0 : i32
    %c0_i32_1 = arith.constant 0 : i32
    return %c0_i32, %arg0, %c0_i32_0 : i32, i32, i32
  }
  func.func @transform_1(%arg0: i32) -> (i32, i32) {
    %c0_i32 = arith.constant 0 : i32
    %c0_i32_0 = arith.constant 0 : i32
    return %arg0, %c0_i32 : i32, i32
  }
  func.func @transform_2(%arg0: i32) -> (i32, i32) {
    %c0_i32 = arith.constant 0 : i32
    %c0_i32_0 = arith.constant 0 : i32
    return %arg0, %c0_i32 : i32, i32
  }
  func.func @transform_3(%arg0: i32) -> (i32, i32) {
    %c0_i32 = arith.constant 0 : i32
    %c0_i32_0 = arith.constant 0 : i32
    %c0_i32_1 = arith.constant 0 : i32
    return %c0_i32, %c0_i32_0 : i32, i32
  }
  func.func @transform_4(%arg0: i32) -> (i32, i32) {
    %c0_i32 = arith.constant 0 : i32
    %c0_i32_0 = arith.constant 0 : i32
    return %arg0, %c0_i32 : i32, i32
  }
  func.func @transform_5(%arg0: i32) -> (i32, i32) {
    %c0_i32 = arith.constant 0 : i32
    %c0_i32_0 = arith.constant 0 : i32
    %c0_i32_1 = arith.constant 0 : i32
    return %c0_i32, %c0_i32_0 : i32, i32
  }
  func.func @transform_6(%arg0: i32) -> (i32, i32) {
    %c0_i32 = arith.constant 0 : i32
    %c0_i32_0 = arith.constant 0 : i32
    %c0_i32_1 = arith.constant 0 : i32
    return %c0_i32, %c0_i32_0 : i32, i32
  }
  func.func @transform_7(%arg0: i32) -> (i32, i32) {
    %c0_i32 = arith.constant 0 : i32
    %c0_i32_0 = arith.constant 0 : i32
    %c0_i32_1 = arith.constant 0 : i32
    return %c0_i32, %c0_i32_0 : i32, i32
  }
  func.func @transform_8(%arg0: i32) -> (i32, i32) {
    %c0_i32 = arith.constant 0 : i32
    %c0_i32_0 = arith.constant 0 : i32
    %c0_i32_1 = arith.constant 0 : i32
    return %c0_i32, %c0_i32_0 : i32, i32
  }
  func.func @transform_9(%arg0: i32) -> (i32, i32) {
    %c0_i32 = arith.constant 0 : i32
    %c0_i32_0 = arith.constant 0 : i32
    %c0_i32_1 = arith.constant 0 : i32
    return %c0_i32, %c0_i32_0 : i32, i32
  }
  func.func @transform_10(%arg0: i32) -> (i32, i32) {
    %c0_i32 = arith.constant 0 : i32
    %c0_i32_0 = arith.constant 0 : i32
    %c0_i32_1 = arith.constant 0 : i32
    return %c0_i32, %c0_i32_0 : i32, i32
  }
  func.func @transform_11(%arg0: i32) -> (i32, i32) {
    %c0_i32 = arith.constant 0 : i32
    %c0_i32_0 = arith.constant 0 : i32
    %c0_i32_1 = arith.constant 0 : i32
    return %c0_i32, %c0_i32_0 : i32, i32
  }
  func.func @transform_12(%arg0: i32) -> (i32, i32) {
    %c0_i32 = arith.constant 0 : i32
    %c0_i32_0 = arith.constant 0 : i32
    return %arg0, %c0_i32 : i32, i32
  }
}

</mosaic_0001>

<sc_bundles>
// kernel: kernel.11.cloned.1.call-start
scs
__scs_entry_jumppad:
0x0: {  	(pc) =	sbr.rel $0x88, $3  }
0x1: {  	(tag) =	ssettag $0x0;
	lr =	simm.s32 $0x1  }
0x2: {  	[smem:$0x3F95] =	sst lr;
	_ =	strace $0xD0000000  }
0x3: {  	_ = 	snop  }
0x4: {  	_ = 	snop  }
0x5: {  	_ = 	snop  }
0x6: {  	_ = 	snop  }
0x7: {  	_ = 	snop  }
__scs_overlays_trampoline_lowered:
0x8: {  	[smem:$0x3FA4] =	sst s0  }
0x9: {  	[smem:$0x3FA5] =	sst s1  }
0xa: {  	[smem:$0x3FA6] =	sst s2  }
0xb: {  	[smem:$0x3FA7] =	sst s3  }
0xc: {  	[smem:$0x3FA8] =	sst s4  }
0xd: {  	[smem:$0x3FA9] =	sst s5  }
0xe: {  	[smem:$0x3FAA] =	sst s6  }
0xf: {  	[smem:$0x3FAB] =	sst s7  }
0x10: {  	[smem:$0x3FAC] =	sst s8  }
0x11: {  	[smem:$0x3FAD] =	sst s9;
	s0 =	simm.s32 @!p0 $0x0  }
0x12: {  	s1 =	sld [smem:$0x3F93];
	s0 =	simm.s32 @p0 $0x1  }
0x13: {  	[smem:$0x3FAE] =	sst s0;
	s0 =	simm.s32 @!p1 $0x0  }
0x14: {  	s2 =	sld [smem:$0x3F92];
	s0 =	simm.s32 @p1 $0x1  }
0x15: {  	[smem:$0x3FAF] =	sst s0;
	s0 =	simm.s32 @!p2 $0x0  }
0x16: {  	s3 =	sld [smem:$0x3FDB];
	s0 =	simm.s32 @p2 $0x1  }
0x17: {  	s4 =	simm.s32 $0x1BF5;
	[smem:$0x3FB1] =	sst s0  }
0x18: {  	s0 =	sld [smem:$0x3F94];
	_ =	swait.ge [sflag:s4], $0x0  }
0x19: {  	s7 =	sld [smem:$0x3F95]  }
0x1a: {  	s8 =	sadd.s32 $0xFFFFE003, lr  }
0x1b: {  	s9 =	sadd.s32 $0xFFFFFEF7, lr;
	s5 =	simm.s32 $0xFFFFFFFF;
	p2 =	slt.u32 s8, $0xFFFFF086  }
0x1c: {  	p1 =	slt.u32 s9, $0xF7A;
	s5 =	simm.s32 @!p2 $0x0  }
0x1d: {  	s5 =	simm.s32 @p1 $0x1;
	p0 =	seq.s32 s7, s2  }
0x1e: {  	s7 =	smul.u32 @!p0 $0xF7A, s2;
	p2 =	seq.s32 @!p0 s5, $0x0  }
0x1f: {  	s9 =	smul.u32 $0xF7A, s1;
	s8 =	simm.s32 @!p0 $0x1BF5;
	p2 =	por !p2, p0  }
0x20: {  	[sflag:s8] =	ssyncset.s32 @!p0 $0xFFFFF086;
	s6 =	sadd.s32 @!p0 s3, s7;
	s7 =	simm.s32 @!p0 $0x108  }
0x21: {  	s3 =	sadd.s32 s3, s9;
	s6 =	sadd.s32 @!p0 $0x88, s6;
	s7 =	simm.s32 @p2 $0x1082  }
0x22: {  	[simem:s7], [sflag:s8] =	dma.local @!p0 [hbm:s6], $0xF7A  }
0x23: {  	s9 =	sor.u32 $0xD0000000, s2;
	s6 =	simm.s32 $0x108;
	_ =	swait.ge @!p0 [sflag:s8], $0x0  }
0x24: {  	s3 =	sadd.s32 $0x88, s3;
	s6 =	simm.s32 @!p1 $0x1082;
	[sflag:s4] =	ssyncset.s32 $0xFFFFF086  }
0x25: {  	[simem:s6], [sflag:s4] =	dma.local [hbm:s3], $0xF7A  }
0x26: {  	[smem:$0x3F95] =	sst s1;
	(tag) =	ssettag s2;
	_ =	strace s9  }
0x27: {  	s1 =	sld [smem:$0x3FA5]  }
0x28: {  	s2 =	sld [smem:$0x3FA6]  }
0x29: {  	s4 =	sld [smem:$0x3FA8]  }
0x2a: {  	p0 =	seq.s32 s5, $0x0;
	s5 =	sld [smem:$0x3FA9]  }
0x2b: {  	s6 =	sld [smem:$0x3FAA]  }
0x2c: {  	s7 =	sld [smem:$0x3FAB]  }
0x2d: {  	s3 =	simm.s32 $0x108;
	s8 =	sld [smem:$0x3FAC]  }
0x2e: {  	s3 =	simm.s32 @!p0 $0x1082;
	s9 =	sld [smem:$0x3FAD]  }
0x2f: {  	lr =	sadd.s32 s0, s3;
	s0 =	sld [smem:$0x3FA4]  }
0x30: {  	s3 =	sld [smem:$0x3FA7]  }
0x31: {  	[smem:$0x3FB0] =	sst s10  }
0x32: {  	s10 =	sld [smem:$0x3FAE];
	_ =	sdelay $0x3  }
0x33: {  	p0 =	seq.s32 s10, $0x1;
	s10 =	sld [smem:$0x3FB0];
	_ =	sdelay $0x3  }
0x34: {  	[smem:$0x3FB0] =	sst s10  }
0x35: {  	s10 =	sld [smem:$0x3FAF];
	_ =	sdelay $0x3  }
0x36: {  	p1 =	seq.s32 s10, $0x1;
	s10 =	sld [smem:$0x3FB0];
	_ =	sdelay $0x3  }
0x37: {  	[smem:$0x3FB0] =	sst s10  }
0x38: {  	s10 =	sld [smem:$0x3FB1]  }
0x39: {  	_ = 	snop;
	(pc) =	sbr.ind lr, $3  }
0x3a: {  	_ = 	snop  }
0x3b: {  	_ = 	snop  }
0x3c: {  	p2 =	seq.s32 s10, $0x1;
	s10 =	sld [smem:$0x3FB0]  }
0x3d: {  	_ =	shalt  }
0x3e: {  	_ =	shalt  }
0x3f: {  	_ =	shalt  }
0x40: {  	_ =	shalt  }
0x41: {  	_ =	shalt  }
0x42: {  	_ =	shalt  }
0x43: {  	_ =	shalt  }
0x44: {  	_ =	shalt  }
0x45: {  	_ =	shalt  }
0x46: {  	_ =	shalt  }
0x47: {  	_ =	shalt  }
0x48: {  	_ =	shalt  }
0x49: {  	_ =	shalt  }
0x4a: {  	_ =	shalt  }
0x4b: {  	_ =	shalt  }
0x4c: {  	_ =	shalt  }
0x4d: {  	_ =	shalt  }
0x4e: {  	_ =	shalt  }
0x4f: {  	_ =	shalt  }
0x50: {  	_ =	shalt  }
0x51: {  	_ =	shalt  }
0x52: {  	_ =	shalt  }
0x53: {  	_ =	shalt  }
0x54: {  	_ =	shalt  }
0x55: {  	_ =	shalt  }
0x56: {  	_ =	shalt  }
0x57: {  	_ =	shalt  }
0x58: {  	_ =	shalt  }
0x59: {  	_ =	shalt  }
0x5a: {  	_ =	shalt  }
0x5b: {  	_ =	shalt  }
0x5c: {  	_ =	shalt  }
0x5d: {  	_ =	shalt  }
0x5e: {  	_ =	shalt  }
0x5f: {  	_ =	shalt  }
0x60: {  	_ =	shalt  }
0x61: {  	_ =	shalt  }
0x62: {  	_ =	shalt  }
0x63: {  	_ =	shalt  }
0x64: {  	_ =	shalt  }
0x65: {  	_ =	shalt  }
0x66: {  	_ =	shalt  }
0x67: {  	_ =	shalt  }
0x68: {  	_ =	shalt  }
0x69: {  	_ =	shalt  }
0x6a: {  	_ =	shalt  }
0x6b: {  	_ =	shalt  }
0x6c: {  	_ =	shalt  }
0x6d: {  	_ =	shalt  }
0x6e: {  	_ =	shalt  }
0x6f: {  	_ =	shalt  }
0x70: {  	_ =	shalt  }
0x71: {  	_ =	shalt  }
0x72: {  	_ =	shalt  }
0x73: {  	_ =	shalt  }
0x74: {  	_ =	shalt  }
0x75: {  	_ =	shalt  }
0x76: {  	_ =	shalt  }
0x77: {  	_ =	shalt  }
0x78: {  	_ =	shalt  }
0x79: {  	_ =	shalt  }
0x7a: {  	_ =	shalt  }
0x7b: {  	_ =	shalt  }
0x7c: {  	_ =	shalt  }
0x7d: {  	_ =	shalt  }
0x7e: {  	_ =	shalt  }
0x7f: {  	_ =	shalt  }
0x80: {  	_ =	shalt  }
0x81: {  	_ =	shalt  }
0x82: {  	_ =	shalt  }
0x83: {  	_ =	shalt  }
0x84: {  	_ =	shalt  }
0x85: {  	_ =	shalt  }
0x86: {  	_ =	shalt  }
0x87: {  	_ =	shalt  }
.Lfunc_end0:
.L_simem_size_0:
called_computation.1_lowered:
.L_overlay_start_0:
0x88: {  	s2 =	sld [smem:$0x3FD9]  }
0x89: {  	s3 =	sld [smem:$0x3FFE];
	_ =	sdelay $0x1  }
0x8a: {  	s1 =	srdreg.scid  }
0x8b: {  	s0 =	sand.u32 $0x1, s1  }
0x8c: {  	s16 =	sshll.u32 s0, $0xA;
	s2 =	sadd.s32 s3, s2  }
0x8d: {  	s2 =	sadd.s32 s2, s16  }
0x8e: {  	[smem:$0x3FBC] =	sst s2  }
0x8f: {  	_ = 	snop  }
0x90: {  	(tm) =	ssettm $0x1  }
0x91: {  	s17 =	sld [smem:$0x3FFB];
	_ =	sdelay $0x3  }
0x92: {  	_ =	strace s17  }
0x93: {  	s2 =	sld [smem:$0x3FFC];
	_ =	sdelay $0x3  }
0x94: {  	_ =	strace s2  }
0x95: {  	s2 =	sld [smem:$0x3FFD];
	_ =	sdelay $0x3  }
0x96: {  	_ =	strace s2  }
0x97: {  	_ =	strace $0x8FFFFFFF  }
0x98: {  	s18 =	sld [smem:$0x3FDB];
	_ =	sdelay $0x1  }
0x99: {  	s19 =	simm.s32 $_scs_section_size  }
0x9a: {  	s4 =	simm.s32 $_size__tile_overlayer_lowered;
	s5 =	simm.s32 $_tile_overlayer_lowered  }
0x9b: {  	s22 =	simm.s32 $0x1BFF;
	s21 =	sshll.u32 s5, $0x1;
	s2 =	sadd.s32 s19, s18  }
0x9c: {  	s6 =	simm.s32 $0x0;
	s20 =	sshll.u32 s4, $0x1;
	s4 =	sadd.s32 s21, s2  }
0x9d: {  	[timem:s6], [sflag:s22] =	dma.local [hbm:s4], s20  }
0x9e: {  	_ =	swait.ge [sflag:s22], s20  }
0x9f: {  	s3 =	ssub.s32 $0x0, s20;
	[sflag:s22] =	ssyncset.done $0x0  }
0xa0: {  	[sflag:s22] =	ssyncadd.s32 s3;
	_ =	sdelay $0x1  }
0xa1: {  	s23 =	simm.s32 $0x1B8B  }
0xa2: {  	_ =	swait.ge [sflag:s23], $0x1  }
0xa3: {  	[sflag:s23] =	ssyncset.done $0x0  }
0xa4: {  	s25 =	simm.s32 $0x1B8E;
	s24 =	sld [smem:$0x3FFE];
	[sflag:s23] =	ssyncadd.s32 $0xFFFFFFFF  }
0xa5: {  	s26 =	simm.s32 $execute0_lowered;
	[smem:$0x3FD2] =	sst s25  }
0xa6: {  	s4 =	sshll.u32 s26, $0x1;
	_ =	strace $0x80000049;
	[dreg:$0x1] =	wrdreg $0xFFFFFFFF  }
0xa7: {  	s28 =	simm.s32 $_size_execute0_lowered;
	s2 =	sadd.s32 s2, s4;
	[dreg:$0x0] =	wrdreg $0x0  }
0xa8: {  	s4 =	sshll.u32 s28, $0x1;
	[dreg:$0x2] =	wrdreg s2  }
0xa9: {  	[dreg:$0x3] =	wrdreg s4  }
0xaa: {  	[dreg:$0x4] =	wrdreg $0xC0  }
0xab: {  	_ =	task [dreg:s6], $0x5FFFF  }
0xac: {  	[dreg:$0x1] =	wrdreg $0xFFFFFFFF  }
0xad: {  	[dreg:$0x0] =	wrdreg $0x60  }
0xae: {  	[dreg:$0x2] =	wrdreg s24  }
0xaf: {  	[dreg:$0x3] =	wrdreg $0x82000  }
0xb0: {  	[dreg:$0x4] =	wrdreg $0x9  }
0xb1: {  	_ =	task.clear_ibuf [dreg:s6], $0x5FFFF;
	_ =	strace $0x90000049  }
0xb2: {  	s29 =	simm.s32 $0x9;
	_ =	strace $0x8000004B  }
0xb3: {  	_ =	swait.ge [sflag:s29], $0x1  }
0xb4: {  	[sflag:s29] =	ssyncadd.s32 $0xFFFFFFFF  }
0xb5: {  	_ =	strace $0x9000004B  }
0xb6: {  	_ =	sfence  }
0xb7: {  	s30 =	sld [smem:$0x0];
	_ =	sdelay $0x2  }
0xb8: {  	s31 =	sshll.u32 s1, $0xD;
	s1 =	sshrl.u32 s1, $0x2  }
0xb9: {  	s3 =	sand.u32 $0x4000, s31;
	s1 =	sadd.s32 s1, s30  }
0xba: {  	s0 =	sor.u32 s3, s0;
	s1 =	sshll.u32 s1, $0x11  }
0xbb: {  	s0 =	sor.u32 s1, s0  }
0xbc: {  	s0 =	sadd.s32 $0x8F2B, s0  }
0xbd: {  	[sflag:s0] =	ssyncadd.remote.s32 $0x1  }
0xbe: {  	_ =	sfence.sel $0xFFFF  }
0xbf: {  	[dreg:$0x0] =	wrdreg $0xFFFFFFFF;
	(pc) =	sbr.abs _section_cstart, $3  }
0xc0: {  	[dreg:$0x1] =	wrdreg $0xFFFFFFFF  }
0xc1: {  	_ =	task.clear_ibuf [dreg:s6], $0x2FFFF;
	_ =	strace $0x9FFFFFFF  }
0xc2: {  	(tm) =	ssettm $0x7FFFFFFF  }
0xc3: {  	_ =	shalt  }
tec
execute0_lowered:
.L_overlay_start_1:
0x0: {  	(tag) =	ssettag $0x1  }
0x1: {  	s5 =	rddreg [dreg:$0x0]  }
0x2: {  	s2 =	rddreg [dreg:$0x1]  }
0x3: {  	s0 =	rddreg [dreg:$0x2]  }
0x4: {  	s1 =	stileid.u32;
	s4 =	srdreg.scid;
	s3 =	simm.s32 $0x0  }
0x5: {  	s19 =	simm.s32 $0x100;
	s20 =	simm.s32 $0x80;
	s6 =	smul.u32 $0x13C00, s1  }
0x6: {  	s7 =	sand.u32 $0x1, s4;
	[smem:$0x7FF] =	sst s3;
	s4 =	sadd.s32 $0x34400, s5  }
0x7: {  	s16 =	sadd.s32 $0x83400, s5;
	s15 =	sadd.s32 $0x2C00, s5;
	s11 =	smul.u32 $0x4F000, s1  }
0x8: {  	s10 =	sshll.u32 s1, $0x1;
	s26 =	smul.u32 $0x5000, s1;
	s28 =	sshll.u32 s1, $0x6  }
0x9: {  	s8 =	smul.u32 $0x13C000, s7;
	_ =	strace $0x8000004A;
	s22 =	ssub.s32 $0x2, s7  }
0xa: {  	s24 =	sor.u32 s7, s10;
	s30 =	smul.u32 $0x2800, s7;
	s9 =	sshrl.u32 s6, $0x3  }
0xb: {  	s23 =	sshrl.u32 s22, $0x1;
	s25 =	sshrl.u32 s11, $0x2;
	s6 =	sadd.s32 s6, s8  }
0xc: {  	s21 =	sadd.s32 s9, s5;
	s13 =	ssub.s32 s22, s23;
	s17 =	sadd.s32 s25, s2  }
0xd: {  	s18 =	sadd.s32 s30, s26;
	s22 =	simm.s32 $0x180;
	s23 =	simm.s32 $0x4200  }
0xe: {  	s25 =	simm.s32 $0x2;
	s26 =	simm.s32 $0x0;
	s6 =	sshrl.u32 s6, $0x3  }
0xf: {  	s31 =	sor.u32 $0x180, s18;
	s18 =	sor.u32 $0x100, s18;
	s17 =	sshrl.u32 s17, $0x3  }
0x10: {  	s12 =	sadd.s32 s6, s5;
	s6 =	smul.u32 $0x2800, s24;
	s5 =	sadd.s32 $0xCC00, s21  }
0x11: {  	s18 =	sshrl.u32 s18, $0x3;
	s21 =	simm.s32 $0x200;
	s24 =	simm.s32 $0x1  }
0x12: {  	s11 =	sadd.s32 $0x8D400, s12;
	s12 =	smax.u32 s13, $0x1;
	s29 =	sshrl.u32 s6, $0x3  }
0x13: {  	s6 =	sor.u32 $0x1C03, s28;
	s7 =	sadd.s32 s16, s29;
	s14 =	sor.u32 $0x10, s29  }
0x14: {  	s9 =	sadd.s32 s16, s14;
	s10 =	sadd.s32 s15, s14;
	s14 =	sshrl.u32 s31, $0x3  }
0x15: {  	s8 =	sadd.s32 s15, s29;
	s13 =	sadd.s32 s14, s15;
	s14 =	sadd.s32 s14, s16  }
0x16: {  	s15 =	sadd.s32 s18, s15;
	s16 =	sadd.s32 s18, s16;
	s18 =	simm.s32 $0x3  }
.LBB2_1:
0x17: {  	[spmem:s17], [sflag:s6] =	dma.local [hbm:s5], $0x2780  }
0x18: {  	_ =	swait.ge [sflag:s18], $0x2780  }
0x19: {  	[sflag:s18] =	ssyncset.done $0x0  }
0x1a: {  	[sflag:s18] =	ssyncadd.s32 $0xFFFFD880  }
0x1b: {  	[tilespmem:s3], [sflag:$0x3] =	stream.linear.gather [hbm4b:s7+s3], $0x80, $0x38;
	[tilespmem:$0x1BE00] =	vst v63  }
0x1c: {  	_ =	swait.ge [sflag:s18], $0x80  }
0x1d: {  	[sflag:s18] =	ssyncset.done $0x0  }
0x1e: {  	[sflag:s18] =	ssyncadd.s32 $0xFFFFFF80  }
0x1f: {  	[tilespmem:s19], [sflag:$0x3] =	stream.linear.gather [hbm4b:s8+s3], $0x80, $0x38;
	[tilespmem:$0x1BE00] =	vst v63  }
0x20: {  	_ =	swait.ge [sflag:s18], $0x80  }
0x21: {  	[sflag:s18] =	ssyncset.done $0x0  }
0x22: {  	[sflag:s18] =	ssyncadd.s32 $0xFFFFFF80  }
0x23: {  	[tilespmem:s21], [sflag:$0x1] =	stream.indirect.gather [hbm4b:s4+s20], $0x80, s3, s20, $0xb8;
	[tilespmem:$0x1BE00] =	vst v63  }
0x24: {  	_ = 	snop  }
0x25: {  	[tilespmem:s20], [sflag:$0x3] =	stream.linear.gather [hbm4b:s9+s3], $0x80, $0x38;
	[tilespmem:$0x1BE00] =	vst v63  }
0x26: {  	_ =	swait.ge [sflag:s18], $0x80  }
0x27: {  	[sflag:s18] =	ssyncset.done $0x0  }
0x28: {  	[sflag:s18] =	ssyncadd.s32 $0xFFFFFF80  }
0x29: {  	[tilespmem:s22], [sflag:$0x3] =	stream.linear.gather [hbm4b:s10+s3], $0x80, $0x38;
	[tilespmem:$0x1BE00] =	vst v63  }
0x2a: {  	_ =	swait.ge [sflag:s18], $0x80  }
0x2b: {  	[sflag:s18] =	ssyncset.done $0x0  }
0x2c: {  	[sflag:s18] =	ssyncadd.s32 $0xFFFFFF80  }
0x2d: {  	[tilespmem:s23], [sflag:$0x2] =	stream.indirect.gather [hbm4b:s4+s20], $0x80, s20, s20, $0xb8;
	[tilespmem:$0x1BE00] =	vst v63  }
0x2e: {  	[bflag:$0x0] =	sbarrier.arrive $0xFFFF  }
0x2f: {  	_ =	swait.ge [sflag:s24], $0x4000  }
0x30: {  	[sflag:s24] =	ssyncset.done $0x0  }
0x31: {  	[sflag:s24] =	ssyncadd.s32 $0xFFFFC000  }
0x32: {  	[spmem:s2] =	stream.indirect.scatter.add.f32 [tilespmem:s21], [sflag:$0x3], $0x80, s19, s20, $0xb8;
	[tilespmem:$0x1BE00] =	vst v63  }
0x33: {  	_ =	swait.ge [sflag:s18], $0x4000  }
0x34: {  	[sflag:s18] =	ssyncset.done $0x0  }
0x35: {  	s28 =	sadd.s32 $0x0, s16;
	[sflag:s18] =	ssyncadd.s32 $0xFFFFC000  }
0x36: {  	[tilespmem:s3], [sflag:$0x3] =	stream.linear.gather [hbm4b:s28+s3], $0x80, $0x38;
	[tilespmem:$0x1BE00] =	vst v63  }
0x37: {  	_ =	swait.ge [sflag:s18], $0x80  }
0x38: {  	[sflag:s18] =	ssyncset.done $0x0  }
0x39: {  	s28 =	sadd.s32 $0x0, s15;
	[sflag:s18] =	ssyncadd.s32 $0xFFFFFF80  }
0x3a: {  	[tilespmem:s19], [sflag:$0x3] =	stream.linear.gather [hbm4b:s28+s3], $0x80, $0x38;
	[tilespmem:$0x1BE00] =	vst v63  }
0x3b: {  	_ =	swait.ge [sflag:s18], $0x80  }
0x3c: {  	[sflag:s18] =	ssyncset.done $0x0  }
0x3d: {  	[sflag:s18] =	ssyncadd.s32 $0xFFFFFF80  }
0x3e: {  	[tilespmem:s21], [sflag:$0x1] =	stream.indirect.gather [hbm4b:s4+s20], $0x80, s3, s20, $0xb8;
	[tilespmem:$0x1BE00] =	vst v63  }
0x3f: {  	_ =	swait.ge [sflag:s25], $0x4000  }
0x40: {  	[sflag:s25] =	ssyncset.done $0x0  }
0x41: {  	[sflag:s25] =	ssyncadd.s32 $0xFFFFC000  }
0x42: {  	[spmem:s2] =	stream.indirect.scatter.add.f32 [tilespmem:s23], [sflag:$0x3], $0x80, s22, s20, $0xb8;
	[tilespmem:$0x1BE00] =	vst v63  }
0x43: {  	_ =	swait.ge [sflag:s18], $0x4000  }
0x44: {  	[sflag:s18] =	ssyncset.done $0x0  }
0x45: {  	s28 =	sadd.s32 $0x0, s14;
	[sflag:s18] =	ssyncadd.s32 $0xFFFFC000  }
0x46: {  	[tilespmem:s20], [sflag:$0x3] =	stream.linear.gather [hbm4b:s28+s3], $0x80, $0x38;
	[tilespmem:$0x1BE00] =	vst v63  }
0x47: {  	_ =	swait.ge [sflag:s18], $0x80  }
0x48: {  	[sflag:s18] =	ssyncset.done $0x0  }
0x49: {  	s28 =	sadd.s32 $0x0, s13;
	[sflag:s18] =	ssyncadd.s32 $0xFFFFFF80  }
0x4a: {  	[tilespmem:s22], [sflag:$0x3] =	stream.linear.gather [hbm4b:s28+s3], $0x80, $0x38;
	[tilespmem:$0x1BE00] =	vst v63  }
0x4b: {  	_ =	swait.ge [sflag:s18], $0x80  }
0x4c: {  	[sflag:s18] =	ssyncset.done $0x0  }
0x4d: {  	s28 =	simm.s32 $0x20;
	[sflag:s18] =	ssyncadd.s32 $0xFFFFFF80  }
.LBB2_2:
0x4e: {  	[tilespmem:s23], [sflag:$0x2] =	stream.indirect.gather [hbm4b:s4+s20], $0x80, s20, s20, $0xb8;
	[tilespmem:$0x1BE00] =	vst v63  }
0x4f: {  	s29 =	smov.u32 s28  }
0x50: {  	p0 =	sne.s32 s28, $0x4C0;
	s28 =	sadd.s32 $0x20, s28;
	_ =	swait.ge [sflag:s24], $0x4000  }
0x51: {  	[sflag:s24] =	ssyncset.done $0x0  }
0x52: {  	[sflag:s24] =	ssyncadd.s32 $0xFFFFC000  }
0x53: {  	[spmem:s2] =	stream.indirect.scatter.add.f32 [tilespmem:s21], [sflag:$0x3], $0x80, s19, s20, $0xb8;
	[tilespmem:$0x1BE00] =	vst v63  }
0x54: {  	_ =	swait.ge [sflag:s18], $0x4000  }
0x55: {  	[sflag:s18] =	ssyncset.done $0x0  }
0x56: {  	s30 =	sadd.s32 s29, s16;
	[sflag:s18] =	ssyncadd.s32 $0xFFFFC000  }
0x57: {  	[tilespmem:s3], [sflag:$0x3] =	stream.linear.gather [hbm4b:s30+s3], $0x80, $0x38;
	[tilespmem:$0x1BE00] =	vst v63  }
0x58: {  	_ =	swait.ge [sflag:s18], $0x80  }
0x59: {  	[sflag:s18] =	ssyncset.done $0x0  }
0x5a: {  	s30 =	sadd.s32 s29, s15;
	[sflag:s18] =	ssyncadd.s32 $0xFFFFFF80  }
0x5b: {  	[tilespmem:s19], [sflag:$0x3] =	stream.linear.gather [hbm4b:s30+s3], $0x80, $0x38;
	[tilespmem:$0x1BE00] =	vst v63  }
0x5c: {  	_ =	swait.ge [sflag:s18], $0x80  }
0x5d: {  	[sflag:s18] =	ssyncset.done $0x0  }
0x5e: {  	[sflag:s18] =	ssyncadd.s32 $0xFFFFFF80  }
0x5f: {  	[tilespmem:s21], [sflag:$0x1] =	stream.indirect.gather [hbm4b:s4+s20], $0x80, s3, s20, $0xb8;
	[tilespmem:$0x1BE00] =	vst v63  }
0x60: {  	_ =	swait.ge [sflag:s25], $0x4000  }
0x61: {  	[sflag:s25] =	ssyncset.done $0x0  }
0x62: {  	[sflag:s25] =	ssyncadd.s32 $0xFFFFC000  }
0x63: {  	[spmem:s2] =	stream.indirect.scatter.add.f32 [tilespmem:s23], [sflag:$0x3], $0x80, s22, s20, $0xb8;
	[tilespmem:$0x1BE00] =	vst v63  }
0x64: {  	_ =	swait.ge [sflag:s18], $0x4000  }
0x65: {  	[sflag:s18] =	ssyncset.done $0x0  }
0x66: {  	s30 =	sadd.s32 s29, s14;
	[sflag:s18] =	ssyncadd.s32 $0xFFFFC000  }
0x67: {  	[tilespmem:s20], [sflag:$0x3] =	stream.linear.gather [hbm4b:s30+s3], $0x80, $0x38;
	[tilespmem:$0x1BE00] =	vst v63  }
0x68: {  	_ =	swait.ge [sflag:s18], $0x80  }
0x69: {  	[sflag:s18] =	ssyncset.done $0x0  }
.Ltmp0:
0x6a: {  	s29 =	sadd.s32 s29, s13;
	[sflag:s18] =	ssyncadd.s32 $0xFFFFFF80;
	(pc) =	sbr.rel @p0 .LBB2_2-.Ltmp0, $4  }
0x6b: {  	[tilespmem:s22], [sflag:$0x3] =	stream.linear.gather [hbm4b:s29+s3], $0x80, $0x38;
	[tilespmem:$0x1BE00] =	vst v63  }
0x6c: {  	_ =	swait.ge [sflag:s18], $0x80  }
0x6d: {  	[sflag:s18] =	ssyncset.done $0x0  }
0x6e: {  	[sflag:s18] =	ssyncadd.s32 $0xFFFFFF80  }
0x6f: {  	[tilespmem:s23], [sflag:$0x2] =	stream.indirect.gather [hbm4b:s4+s20], $0x80, s20, s20, $0xb8;
	[tilespmem:$0x1BE00] =	vst v63  }
0x70: {  	_ =	swait.ge [sflag:s24], $0x4000  }
0x71: {  	[sflag:s24] =	ssyncset.done $0x0  }
0x72: {  	[sflag:s24] =	ssyncadd.s32 $0xFFFFC000  }
0x73: {  	[spmem:s2] =	stream.indirect.scatter.add.f32 [tilespmem:s21], [sflag:$0x3], $0x80, s19, s20, $0xb8;
	[tilespmem:$0x1BE00] =	vst v63  }
0x74: {  	_ =	swait.ge [sflag:s18], $0x4000  }
0x75: {  	[sflag:s18] =	ssyncset.done $0x0  }
0x76: {  	[sflag:s18] =	ssyncadd.s32 $0xFFFFC000  }
0x77: {  	_ =	swait.ge [sflag:s25], $0x4000  }
0x78: {  	[sflag:s25] =	ssyncset.done $0x0  }
0x79: {  	[sflag:s25] =	ssyncadd.s32 $0xFFFFC000  }
0x7a: {  	[spmem:s2] =	stream.indirect.scatter.add.f32 [tilespmem:s23], [sflag:$0x3], $0x80, s22, s20, $0xb8;
	[tilespmem:$0x1BE00] =	vst v63  }
0x7b: {  	_ =	swait.ge [sflag:s18], $0x4000  }
0x7c: {  	s26 =	sadd.s32 $0x1, s26;
	[sflag:s18] =	ssyncset.done $0x0  }
0x7d: {  	p0 =	sne.s32 s26, s12;
	[sflag:s18] =	ssyncadd.s32 $0xFFFFC000  }
.Ltmp1:
0x7e: {  	[bflag:$0x0] =	sbarrier.arrive $0xFFFF;
	(pc) =	sbr.rel @p0 .LBB2_1-.Ltmp1, $4  }
0x7f: {  	[hbm:s11], [sflag:s6] =	dma.local [spmem:s17], $0x2780  }
0x80: {  	_ =	swait.ge [sflag:s18], $0x2780  }
0x81: {  	[sflag:s18] =	ssyncset.done $0x0  }
0x82: {  	[sflag:s18] =	ssyncadd.s32 $0xFFFFD880  }
0x83: {  	_ =	sfence.sel $0x180000  }
0x84: {  	[bflag:$0x0] =	sbarrier.arrive $0xFFFF  }
0x85: {  	p0 =	sne.s32 s1, $0x0;
	_ =	strace $0x9000004A  }
0x86: {  	s0 =	sadd.s32 @!p0 $0x100000, s0;
	[bflag:$0x2] =	sbarrier.arrive $0xFFFF  }
0x87: {  	[sflag:s0] =	ssyncadd.tile.s32 @!p0 $0x1;
	_ =	shalt  }
.Lfunc_end2:
_tile_overlayer_lowered:
.L_overlay_start_2:
0x88: {  	(tag) =	ssettag $0x2  }
0x89: {  	s0 =	rddreg [dreg:$0x0];
	s2 =	stileid.u32  }
0x8a: {  	s1 =	rddreg [dreg:$0x1];
	p0 =	sne.s32 s2, $0x0  }
0x8b: {  	s3 =	rddreg [dreg:$0x2];
	[bflag:$0x3] =	sbarrier.arrive $0xFFFF;
	s2 =	simm.s32 @!p0 $0x1C03  }
0x8c: {  	[timem:s3], [sflag:s2] =	dma.local @!p0 [hbm:s0], s1  }
0x8d: {  	s0 =	simm.s32 @!p0 $0x3  }
0x8e: {  	_ =	swait.ge @!p0 [sflag:s0], s1  }
0x8f: {  	s1 =	ssub.s32 @!p0 $0x0, s1;
	[sflag:s0] =	ssyncset.done @!p0 $0x0  }
0x90: {  	[sflag:s0] =	ssyncadd.s32 @!p0 s1  }
0x91: {  	[bflag:$0x3] =	sbarrier.arrive $0xFFFF  }
0x92: {  	_ =	shalt  }

// kernel: kernel.14.cloned.1.call-start
scs
__scs_entry_jumppad:
0x0: {  	(pc) =	sbr.rel $0x88, $3  }
0x1: {  	(tag) =	ssettag $0x0;
	lr =	simm.s32 $0x1  }
0x2: {  	[smem:$0x3F95] =	sst lr;
	_ =	strace $0xD0000000  }
0x3: {  	_ = 	snop  }
0x4: {  	_ = 	snop  }
0x5: {  	_ = 	snop  }
0x6: {  	_ = 	snop  }
0x7: {  	_ = 	snop  }
__scs_overlays_trampoline_lowered:
0x8: {  	[smem:$0x3FA4] =	sst s0  }
0x9: {  	[smem:$0x3FA5] =	sst s1  }
0xa: {  	[smem:$0x3FA6] =	sst s2  }
0xb: {  	[smem:$0x3FA7] =	sst s3  }
0xc: {  	[smem:$0x3FA8] =	sst s4  }
0xd: {  	[smem:$0x3FA9] =	sst s5  }
0xe: {  	[smem:$0x3FAA] =	sst s6  }
0xf: {  	[smem:$0x3FAB] =	sst s7  }
0x10: {  	[smem:$0x3FAC] =	sst s8  }
0x11: {  	[smem:$0x3FAD] =	sst s9;
	s0 =	simm.s32 @!p0 $0x0  }
0x12: {  	s1 =	sld [smem:$0x3F93];
	s0 =	simm.s32 @p0 $0x1  }
0x13: {  	[smem:$0x3FAE] =	sst s0;
	s0 =	simm.s32 @!p1 $0x0  }
0x14: {  	s2 =	sld [smem:$0x3F92];
	s0 =	simm.s32 @p1 $0x1  }
0x15: {  	[smem:$0x3FAF] =	sst s0;
	s0 =	simm.s32 @!p2 $0x0  }
0x16: {  	s3 =	sld [smem:$0x3FDB];
	s0 =	simm.s32 @p2 $0x1  }
0x17: {  	s4 =	simm.s32 $0x1BF5;
	[smem:$0x3FB1] =	sst s0  }
0x18: {  	s0 =	sld [smem:$0x3F94];
	_ =	swait.ge [sflag:s4], $0x0  }
0x19: {  	s7 =	sld [smem:$0x3F95]  }
0x1a: {  	s8 =	sadd.s32 $0xFFFFE003, lr  }
0x1b: {  	s9 =	sadd.s32 $0xFFFFFEF7, lr;
	s5 =	simm.s32 $0xFFFFFFFF;
	p2 =	slt.u32 s8, $0xFFFFF086  }
0x1c: {  	p1 =	slt.u32 s9, $0xF7A;
	s5 =	simm.s32 @!p2 $0x0  }
0x1d: {  	s5 =	simm.s32 @p1 $0x1;
	p0 =	seq.s32 s7, s2  }
0x1e: {  	s7 =	smul.u32 @!p0 $0xF7A, s2;
	p2 =	seq.s32 @!p0 s5, $0x0  }
0x1f: {  	s9 =	smul.u32 $0xF7A, s1;
	s8 =	simm.s32 @!p0 $0x1BF5;
	p2 =	por !p2, p0  }
0x20: {  	[sflag:s8] =	ssyncset.s32 @!p0 $0xFFFFF086;
	s6 =	sadd.s32 @!p0 s3, s7;
	s7 =	simm.s32 @!p0 $0x108  }
0x21: {  	s3 =	sadd.s32 s3, s9;
	s6 =	sadd.s32 @!p0 $0x88, s6;
	s7 =	simm.s32 @p2 $0x1082  }
0x22: {  	[simem:s7], [sflag:s8] =	dma.local @!p0 [hbm:s6], $0xF7A  }
0x23: {  	s9 =	sor.u32 $0xD0000000, s2;
	s6 =	simm.s32 $0x108;
	_ =	swait.ge @!p0 [sflag:s8], $0x0  }
0x24: {  	s3 =	sadd.s32 $0x88, s3;
	s6 =	simm.s32 @!p1 $0x1082;
	[sflag:s4] =	ssyncset.s32 $0xFFFFF086  }
0x25: {  	[simem:s6], [sflag:s4] =	dma.local [hbm:s3], $0xF7A  }
0x26: {  	[smem:$0x3F95] =	sst s1;
	(tag) =	ssettag s2;
	_ =	strace s9  }
0x27: {  	s1 =	sld [smem:$0x3FA5]  }
0x28: {  	s2 =	sld [smem:$0x3FA6]  }
0x29: {  	s4 =	sld [smem:$0x3FA8]  }
0x2a: {  	p0 =	seq.s32 s5, $0x0;
	s5 =	sld [smem:$0x3FA9]  }
0x2b: {  	s6 =	sld [smem:$0x3FAA]  }
0x2c: {  	s7 =	sld [smem:$0x3FAB]  }
0x2d: {  	s3 =	simm.s32 $0x108;
	s8 =	sld [smem:$0x3FAC]  }
0x2e: {  	s3 =	simm.s32 @!p0 $0x1082;
	s9 =	sld [smem:$0x3FAD]  }
0x2f: {  	lr =	sadd.s32 s0, s3;
	s0 =	sld [smem:$0x3FA4]  }
0x30: {  	s3 =	sld [smem:$0x3FA7]  }
0x31: {  	[smem:$0x3FB0] =	sst s10  }
0x32: {  	s10 =	sld [smem:$0x3FAE];
	_ =	sdelay $0x3  }
0x33: {  	p0 =	seq.s32 s10, $0x1;
	s10 =	sld [smem:$0x3FB0];
	_ =	sdelay $0x3  }
0x34: {  	[smem:$0x3FB0] =	sst s10  }
0x35: {  	s10 =	sld [smem:$0x3FAF];
	_ =	sdelay $0x3  }
0x36: {  	p1 =	seq.s32 s10, $0x1;
	s10 =	sld [smem:$0x3FB0];
	_ =	sdelay $0x3  }
0x37: {  	[smem:$0x3FB0] =	sst s10  }
0x38: {  	s10 =	sld [smem:$0x3FB1]  }
0x39: {  	_ = 	snop;
	(pc) =	sbr.ind lr, $3  }
0x3a: {  	_ = 	snop  }
0x3b: {  	_ = 	snop  }
0x3c: {  	p2 =	seq.s32 s10, $0x1;
	s10 =	sld [smem:$0x3FB0]  }
0x3d: {  	_ =	shalt  }
0x3e: {  	_ =	shalt  }
0x3f: {  	_ =	shalt  }
0x40: {  	_ =	shalt  }
0x41: {  	_ =	shalt  }
0x42: {  	_ =	shalt  }
0x43: {  	_ =	shalt  }
0x44: {  	_ =	shalt  }
0x45: {  	_ =	shalt  }
0x46: {  	_ =	shalt  }
0x47: {  	_ =	shalt  }
0x48: {  	_ =	shalt  }
0x49: {  	_ =	shalt  }
0x4a: {  	_ =	shalt  }
0x4b: {  	_ =	shalt  }
0x4c: {  	_ =	shalt  }
0x4d: {  	_ =	shalt  }
0x4e: {  	_ =	shalt  }
0x4f: {  	_ =	shalt  }
0x50: {  	_ =	shalt  }
0x51: {  	_ =	shalt  }
0x52: {  	_ =	shalt  }
0x53: {  	_ =	shalt  }
0x54: {  	_ =	shalt  }
0x55: {  	_ =	shalt  }
0x56: {  	_ =	shalt  }
0x57: {  	_ =	shalt  }
0x58: {  	_ =	shalt  }
0x59: {  	_ =	shalt  }
0x5a: {  	_ =	shalt  }
0x5b: {  	_ =	shalt  }
0x5c: {  	_ =	shalt  }
0x5d: {  	_ =	shalt  }
0x5e: {  	_ =	shalt  }
0x5f: {  	_ =	shalt  }
0x60: {  	_ =	shalt  }
0x61: {  	_ =	shalt  }
0x62: {  	_ =	shalt  }
0x63: {  	_ =	shalt  }
0x64: {  	_ =	shalt  }
0x65: {  	_ =	shalt  }
0x66: {  	_ =	shalt  }
0x67: {  	_ =	shalt  }
0x68: {  	_ =	shalt  }
0x69: {  	_ =	shalt  }
0x6a: {  	_ =	shalt  }
0x6b: {  	_ =	shalt  }
0x6c: {  	_ =	shalt  }
0x6d: {  	_ =	shalt  }
0x6e: {  	_ =	shalt  }
0x6f: {  	_ =	shalt  }
0x70: {  	_ =	shalt  }
0x71: {  	_ =	shalt  }
0x72: {  	_ =	shalt  }
0x73: {  	_ =	shalt  }
0x74: {  	_ =	shalt  }
0x75: {  	_ =	shalt  }
0x76: {  	_ =	shalt  }
0x77: {  	_ =	shalt  }
0x78: {  	_ =	shalt  }
0x79: {  	_ =	shalt  }
0x7a: {  	_ =	shalt  }
0x7b: {  	_ =	shalt  }
0x7c: {  	_ =	shalt  }
0x7d: {  	_ =	shalt  }
0x7e: {  	_ =	shalt  }
0x7f: {  	_ =	shalt  }
0x80: {  	_ =	shalt  }
0x81: {  	_ =	shalt  }
0x82: {  	_ =	shalt  }
0x83: {  	_ =	shalt  }
0x84: {  	_ =	shalt  }
0x85: {  	_ =	shalt  }
0x86: {  	_ =	shalt  }
0x87: {  	_ =	shalt  }
.Lfunc_end0:
.L_simem_size_0:
called_computation.2_lowered:
.L_overlay_start_0:
0x88: {  	s2 =	sld [smem:$0x3FD9]  }
0x89: {  	s3 =	sld [smem:$0x3FFE];
	_ =	sdelay $0x1  }
0x8a: {  	s1 =	srdreg.scid  }
0x8b: {  	s0 =	sand.u32 $0x1, s1  }
0x8c: {  	s16 =	sshll.u32 s0, $0xA;
	s2 =	sadd.s32 s3, s2  }
0x8d: {  	s2 =	sadd.s32 s2, s16  }
0x8e: {  	[smem:$0x3FBC] =	sst s2  }
0x8f: {  	_ = 	snop  }
0x90: {  	(tm) =	ssettm $0x1  }
0x91: {  	s17 =	sld [smem:$0x3FFB];
	_ =	sdelay $0x3  }
0x92: {  	_ =	strace s17  }
0x93: {  	s2 =	sld [smem:$0x3FFC];
	_ =	sdelay $0x3  }
0x94: {  	_ =	strace s2  }
0x95: {  	s2 =	sld [smem:$0x3FFD];
	_ =	sdelay $0x3  }
0x96: {  	_ =	strace s2  }
0x97: {  	_ =	strace $0x8FFFFFFF  }
0x98: {  	s18 =	sld [smem:$0x3FDB];
	_ =	sdelay $0x1  }
0x99: {  	s19 =	simm.s32 $_scs_section_size  }
0x9a: {  	s4 =	simm.s32 $_size__tile_overlayer_lowered;
	s5 =	simm.s32 $_tile_overlayer_lowered  }
0x9b: {  	s22 =	simm.s32 $0x1BFF;
	s21 =	sshll.u32 s5, $0x1;
	s2 =	sadd.s32 s19, s18  }
0x9c: {  	s6 =	simm.s32 $0x0;
	s20 =	sshll.u32 s4, $0x1;
	s4 =	sadd.s32 s21, s2  }
0x9d: {  	[timem:s6], [sflag:s22] =	dma.local [hbm:s4], s20  }
0x9e: {  	_ =	swait.ge [sflag:s22], s20  }
0x9f: {  	s3 =	ssub.s32 $0x0, s20;
	[sflag:s22] =	ssyncset.done $0x0  }
0xa0: {  	[sflag:s22] =	ssyncadd.s32 s3;
	_ =	sdelay $0x1  }
0xa1: {  	s23 =	simm.s32 $0x1B8B  }
0xa2: {  	_ =	swait.ge [sflag:s23], $0x1  }
0xa3: {  	[sflag:s23] =	ssyncset.done $0x0  }
0xa4: {  	s25 =	simm.s32 $0x1B8E;
	s24 =	sld [smem:$0x3FFE];
	[sflag:s23] =	ssyncadd.s32 $0xFFFFFFFF  }
0xa5: {  	s26 =	simm.s32 $execute0_lowered;
	[smem:$0x3FD2] =	sst s25  }
0xa6: {  	s4 =	sshll.u32 s26, $0x1;
	_ =	strace $0x8000004C;
	[dreg:$0x1] =	wrdreg $0xFFFFFFFF  }
0xa7: {  	s28 =	simm.s32 $_size_execute0_lowered;
	s2 =	sadd.s32 s2, s4;
	[dreg:$0x0] =	wrdreg $0x0  }
0xa8: {  	s4 =	sshll.u32 s28, $0x1;
	[dreg:$0x2] =	wrdreg s2  }
0xa9: {  	[dreg:$0x3] =	wrdreg s4  }
0xaa: {  	[dreg:$0x4] =	wrdreg $0xC0  }
0xab: {  	_ =	task [dreg:s6], $0x5FFFF  }
0xac: {  	[dreg:$0x1] =	wrdreg $0xFFFFFFFF  }
0xad: {  	[dreg:$0x0] =	wrdreg $0x60  }
0xae: {  	[dreg:$0x2] =	wrdreg s24  }
0xaf: {  	[dreg:$0x3] =	wrdreg $0x82000  }
0xb0: {  	[dreg:$0x4] =	wrdreg $0x9  }
0xb1: {  	_ =	task.clear_ibuf [dreg:s6], $0x5FFFF;
	_ =	strace $0x9000004C  }
0xb2: {  	s29 =	simm.s32 $0x9;
	_ =	strace $0x8000004E  }
0xb3: {  	_ =	swait.ge [sflag:s29], $0x1  }
0xb4: {  	[sflag:s29] =	ssyncadd.s32 $0xFFFFFFFF  }
0xb5: {  	_ =	strace $0x9000004E  }
0xb6: {  	_ =	sfence  }
0xb7: {  	s30 =	sld [smem:$0x0];
	_ =	sdelay $0x2  }
0xb8: {  	s31 =	sshll.u32 s1, $0xD;
	s1 =	sshrl.u32 s1, $0x2  }
0xb9: {  	s3 =	sand.u32 $0x4000, s31;
	s1 =	sadd.s32 s1, s30  }
0xba: {  	s0 =	sor.u32 s3, s0;
	s1 =	sshll.u32 s1, $0x11  }
0xbb: {  	s0 =	sor.u32 s1, s0  }
0xbc: {  	s0 =	sadd.s32 $0x8F2B, s0  }
0xbd: {  	[sflag:s0] =	ssyncadd.remote.s32 $0x1  }
0xbe: {  	_ =	sfence.sel $0xFFFF  }
0xbf: {  	[dreg:$0x0] =	wrdreg $0xFFFFFFFF;
	(pc) =	sbr.abs _section_cstart, $3  }
0xc0: {  	[dreg:$0x1] =	wrdreg $0xFFFFFFFF  }
0xc1: {  	_ =	task.clear_ibuf [dreg:s6], $0x2FFFF;
	_ =	strace $0x9FFFFFFF  }
0xc2: {  	(tm) =	ssettm $0x7FFFFFFF  }
0xc3: {  	_ =	shalt  }
tec
execute0_lowered:
.L_overlay_start_1:
0x0: {  	(tag) =	ssettag $0x1  }
0x1: {  	s5 =	rddreg [dreg:$0x0]  }
0x2: {  	s2 =	rddreg [dreg:$0x1]  }
0x3: {  	s0 =	rddreg [dreg:$0x2]  }
0x4: {  	s1 =	stileid.u32;
	s4 =	srdreg.scid;
	s3 =	simm.s32 $0x0  }
0x5: {  	s19 =	simm.s32 $0x100;
	s20 =	simm.s32 $0x80;
	s6 =	smul.u32 $0x13C00, s1  }
0x6: {  	s7 =	sand.u32 $0x1, s4;
	[smem:$0x7FF] =	sst s3;
	s4 =	sadd.s32 $0x34400, s5  }
0x7: {  	s16 =	sadd.s32 $0x83400, s5;
	s15 =	sadd.s32 $0x2C00, s5;
	s11 =	smul.u32 $0x4F000, s1  }
0x8: {  	s10 =	sshll.u32 s1, $0x1;
	s26 =	smul.u32 $0x5000, s1;
	s28 =	sshll.u32 s1, $0x6  }
0x9: {  	s8 =	smul.u32 $0x13C000, s7;
	_ =	strace $0x8000004D;
	s22 =	ssub.s32 $0x2, s7  }
0xa: {  	s24 =	sor.u32 s7, s10;
	s30 =	smul.u32 $0x2800, s7;
	s9 =	sshrl.u32 s6, $0x3  }
0xb: {  	s23 =	sshrl.u32 s22, $0x1;
	s25 =	sshrl.u32 s11, $0x2;
	s6 =	sadd.s32 s6, s8  }
0xc: {  	s21 =	sadd.s32 s9, s5;
	s13 =	ssub.s32 s22, s23;
	s17 =	sadd.s32 s25, s2  }
0xd: {  	s18 =	sadd.s32 s30, s26;
	s22 =	simm.s32 $0x180;
	s23 =	simm.s32 $0x4200  }
0xe: {  	s25 =	simm.s32 $0x2;
	s26 =	simm.s32 $0x0;
	s6 =	sshrl.u32 s6, $0x3  }
0xf: {  	s31 =	sor.u32 $0x180, s18;
	s18 =	sor.u32 $0x100, s18;
	s17 =	sshrl.u32 s17, $0x3  }
0x10: {  	s12 =	sadd.s32 s6, s5;
	s6 =	smul.u32 $0x2800, s24;
	s5 =	sadd.s32 $0xCC00, s21  }
0x11: {  	s18 =	sshrl.u32 s18, $0x3;
	s21 =	simm.s32 $0x200;
	s24 =	simm.s32 $0x1  }
0x12: {  	s11 =	sadd.s32 $0x8D400, s12;
	s12 =	smax.u32 s13, $0x1;
	s29 =	sshrl.u32 s6, $0x3  }
0x13: {  	s6 =	sor.u32 $0x1C03, s28;
	s7 =	sadd.s32 s16, s29;
	s14 =	sor.u32 $0x10, s29  }
0x14: {  	s9 =	sadd.s32 s16, s14;
	s10 =	sadd.s32 s15, s14;
	s14 =	sshrl.u32 s31, $0x3  }
0x15: {  	s8 =	sadd.s32 s15, s29;
	s13 =	sadd.s32 s14, s15;
	s14 =	sadd.s32 s14, s16  }
0x16: {  	s15 =	sadd.s32 s18, s15;
	s16 =	sadd.s32 s18, s16;
	s18 =	simm.s32 $0x3  }
.LBB2_1:
0x17: {  	[spmem:s17], [sflag:s6] =	dma.local [hbm:s5], $0x2780  }
0x18: {  	_ =	swait.ge [sflag:s18], $0x2780  }
0x19: {  	[sflag:s18] =	ssyncset.done $0x0  }
0x1a: {  	[sflag:s18] =	ssyncadd.s32 $0xFFFFD880  }
0x1b: {  	[tilespmem:s3], [sflag:$0x3] =	stream.linear.gather [hbm4b:s7+s3], $0x80, $0x38;
	[tilespmem:$0x1BE00] =	vst v63  }
0x1c: {  	_ =	swait.ge [sflag:s18], $0x80  }
0x1d: {  	[sflag:s18] =	ssyncset.done $0x0  }
0x1e: {  	[sflag:s18] =	ssyncadd.s32 $0xFFFFFF80  }
0x1f: {  	[tilespmem:s19], [sflag:$0x3] =	stream.linear.gather [hbm4b:s8+s3], $0x80, $0x38;
	[tilespmem:$0x1BE00] =	vst v63  }
0x20: {  	_ =	swait.ge [sflag:s18], $0x80  }
0x21: {  	[sflag:s18] =	ssyncset.done $0x0  }
0x22: {  	[sflag:s18] =	ssyncadd.s32 $0xFFFFFF80  }
0x23: {  	[tilespmem:s21], [sflag:$0x1] =	stream.indirect.gather [hbm4b:s4+s20], $0x80, s3, s20, $0xb8;
	[tilespmem:$0x1BE00] =	vst v63  }
0x24: {  	_ = 	snop  }
0x25: {  	[tilespmem:s20], [sflag:$0x3] =	stream.linear.gather [hbm4b:s9+s3], $0x80, $0x38;
	[tilespmem:$0x1BE00] =	vst v63  }
0x26: {  	_ =	swait.ge [sflag:s18], $0x80  }
0x27: {  	[sflag:s18] =	ssyncset.done $0x0  }
0x28: {  	[sflag:s18] =	ssyncadd.s32 $0xFFFFFF80  }
0x29: {  	[tilespmem:s22], [sflag:$0x3] =	stream.linear.gather [hbm4b:s10+s3], $0x80, $0x38;
	[tilespmem:$0x1BE00] =	vst v63  }
0x2a: {  	_ =	swait.ge [sflag:s18], $0x80  }
0x2b: {  	[sflag:s18] =	ssyncset.done $0x0  }
0x2c: {  	[sflag:s18] =	ssyncadd.s32 $0xFFFFFF80  }
0x2d: {  	[tilespmem:s23], [sflag:$0x2] =	stream.indirect.gather [hbm4b:s4+s20], $0x80, s20, s20, $0xb8;
	[tilespmem:$0x1BE00] =	vst v63  }
0x2e: {  	[bflag:$0x0] =	sbarrier.arrive $0xFFFF  }
0x2f: {  	_ =	swait.ge [sflag:s24], $0x4000  }
0x30: {  	[sflag:s24] =	ssyncset.done $0x0  }
0x31: {  	[sflag:s24] =	ssyncadd.s32 $0xFFFFC000  }
0x32: {  	[spmem:s2] =	stream.indirect.scatter.add.f32 [tilespmem:s21], [sflag:$0x3], $0x80, s19, s20, $0xb8;
	[tilespmem:$0x1BE00] =	vst v63  }
0x33: {  	_ =	swait.ge [sflag:s18], $0x4000  }
0x34: {  	[sflag:s18] =	ssyncset.done $0x0  }
0x35: {  	s28 =	sadd.s32 $0x0, s16;
	[sflag:s18] =	ssyncadd.s32 $0xFFFFC000  }
0x36: {  	[tilespmem:s3], [sflag:$0x3] =	stream.linear.gather [hbm4b:s28+s3], $0x80, $0x38;
	[tilespmem:$0x1BE00] =	vst v63  }
0x37: {  	_ =	swait.ge [sflag:s18], $0x80  }
0x38: {  	[sflag:s18] =	ssyncset.done $0x0  }
0x39: {  	s28 =	sadd.s32 $0x0, s15;
	[sflag:s18] =	ssyncadd.s32 $0xFFFFFF80  }
0x3a: {  	[tilespmem:s19], [sflag:$0x3] =	stream.linear.gather [hbm4b:s28+s3], $0x80, $0x38;
	[tilespmem:$0x1BE00] =	vst v63  }
0x3b: {  	_ =	swait.ge [sflag:s18], $0x80  }
0x3c: {  	[sflag:s18] =	ssyncset.done $0x0  }
0x3d: {  	[sflag:s18] =	ssyncadd.s32 $0xFFFFFF80  }
0x3e: {  	[tilespmem:s21], [sflag:$0x1] =	stream.indirect.gather [hbm4b:s4+s20], $0x80, s3, s20, $0xb8;
	[tilespmem:$0x1BE00] =	vst v63  }
0x3f: {  	_ =	swait.ge [sflag:s25], $0x4000  }
0x40: {  	[sflag:s25] =	ssyncset.done $0x0  }
0x41: {  	[sflag:s25] =	ssyncadd.s32 $0xFFFFC000  }
0x42: {  	[spmem:s2] =	stream.indirect.scatter.add.f32 [tilespmem:s23], [sflag:$0x3], $0x80, s22, s20, $0xb8;
	[tilespmem:$0x1BE00] =	vst v63  }
0x43: {  	_ =	swait.ge [sflag:s18], $0x4000  }
0x44: {  	[sflag:s18] =	ssyncset.done $0x0  }
0x45: {  	s28 =	sadd.s32 $0x0, s14;
	[sflag:s18] =	ssyncadd.s32 $0xFFFFC000  }
0x46: {  	[tilespmem:s20], [sflag:$0x3] =	stream.linear.gather [hbm4b:s28+s3], $0x80, $0x38;
	[tilespmem:$0x1BE00] =	vst v63  }
0x47: {  	_ =	swait.ge [sflag:s18], $0x80  }
0x48: {  	[sflag:s18] =	ssyncset.done $0x0  }
0x49: {  	s28 =	sadd.s32 $0x0, s13;
	[sflag:s18] =	ssyncadd.s32 $0xFFFFFF80  }
0x4a: {  	[tilespmem:s22], [sflag:$0x3] =	stream.linear.gather [hbm4b:s28+s3], $0x80, $0x38;
	[tilespmem:$0x1BE00] =	vst v63  }
0x4b: {  	_ =	swait.ge [sflag:s18], $0x80  }
0x4c: {  	[sflag:s18] =	ssyncset.done $0x0  }
0x4d: {  	s28 =	simm.s32 $0x20;
	[sflag:s18] =	ssyncadd.s32 $0xFFFFFF80  }
.LBB2_2:
0x4e: {  	[tilespmem:s23], [sflag:$0x2] =	stream.indirect.gather [hbm4b:s4+s20], $0x80, s20, s20, $0xb8;
	[tilespmem:$0x1BE00] =	vst v63  }
0x4f: {  	s29 =	smov.u32 s28  }
0x50: {  	p0 =	sne.s32 s28, $0x4C0;
	s28 =	sadd.s32 $0x20, s28;
	_ =	swait.ge [sflag:s24], $0x4000  }
0x51: {  	[sflag:s24] =	ssyncset.done $0x0  }
0x52: {  	[sflag:s24] =	ssyncadd.s32 $0xFFFFC000  }
0x53: {  	[spmem:s2] =	stream.indirect.scatter.add.f32 [tilespmem:s21], [sflag:$0x3], $0x80, s19, s20, $0xb8;
	[tilespmem:$0x1BE00] =	vst v63  }
0x54: {  	_ =	swait.ge [sflag:s18], $0x4000  }
0x55: {  	[sflag:s18] =	ssyncset.done $0x0  }
0x56: {  	s30 =	sadd.s32 s29, s16;
	[sflag:s18] =	ssyncadd.s32 $0xFFFFC000  }
0x57: {  	[tilespmem:s3], [sflag:$0x3] =	stream.linear.gather [hbm4b:s30+s3], $0x80, $0x38;
	[tilespmem:$0x1BE00] =	vst v63  }
0x58: {  	_ =	swait.ge [sflag:s18], $0x80  }
0x59: {  	[sflag:s18] =	ssyncset.done $0x0  }
0x5a: {  	s30 =	sadd.s32 s29, s15;
	[sflag:s18] =	ssyncadd.s32 $0xFFFFFF80  }
0x5b: {  	[tilespmem:s19], [sflag:$0x3] =	stream.linear.gather [hbm4b:s30+s3], $0x80, $0x38;
	[tilespmem:$0x1BE00] =	vst v63  }
0x5c: {  	_ =	swait.ge [sflag:s18], $0x80  }
0x5d: {  	[sflag:s18] =	ssyncset.done $0x0  }
0x5e: {  	[sflag:s18] =	ssyncadd.s32 $0xFFFFFF80  }
0x5f: {  	[tilespmem:s21], [sflag:$0x1] =	stream.indirect.gather [hbm4b:s4+s20], $0x80, s3, s20, $0xb8;
	[tilespmem:$0x1BE00] =	vst v63  }
0x60: {  	_ =	swait.ge [sflag:s25], $0x4000  }
0x61: {  	[sflag:s25] =	ssyncset.done $0x0  }
0x62: {  	[sflag:s25] =	ssyncadd.s32 $0xFFFFC000  }
0x63: {  	[spmem:s2] =	stream.indirect.scatter.add.f32 [tilespmem:s23], [sflag:$0x3], $0x80, s22, s20, $0xb8;
	[tilespmem:$0x1BE00] =	vst v63  }
0x64: {  	_ =	swait.ge [sflag:s18], $0x4000  }
0x65: {  	[sflag:s18] =	ssyncset.done $0x0  }
0x66: {  	s30 =	sadd.s32 s29, s14;
	[sflag:s18] =	ssyncadd.s32 $0xFFFFC000  }
0x67: {  	[tilespmem:s20], [sflag:$0x3] =	stream.linear.gather [hbm4b:s30+s3], $0x80, $0x38;
	[tilespmem:$0x1BE00] =	vst v63  }
0x68: {  	_ =	swait.ge [sflag:s18], $0x80  }
0x69: {  	[sflag:s18] =	ssyncset.done $0x0  }
.Ltmp0:
0x6a: {  	s29 =	sadd.s32 s29, s13;
	[sflag:s18] =	ssyncadd.s32 $0xFFFFFF80;
	(pc) =	sbr.rel @p0 .LBB2_2-.Ltmp0, $4  }
0x6b: {  	[tilespmem:s22], [sflag:$0x3] =	stream.linear.gather [hbm4b:s29+s3], $0x80, $0x38;
	[tilespmem:$0x1BE00] =	vst v63  }
0x6c: {  	_ =	swait.ge [sflag:s18], $0x80  }
0x6d: {  	[sflag:s18] =	ssyncset.done $0x0  }
0x6e: {  	[sflag:s18] =	ssyncadd.s32 $0xFFFFFF80  }
0x6f: {  	[tilespmem:s23], [sflag:$0x2] =	stream.indirect.gather [hbm4b:s4+s20], $0x80, s20, s20, $0xb8;
	[tilespmem:$0x1BE00] =	vst v63  }
0x70: {  	_ =	swait.ge [sflag:s24], $0x4000  }
0x71: {  	[sflag:s24] =	ssyncset.done $0x0  }
0x72: {  	[sflag:s24] =	ssyncadd.s32 $0xFFFFC000  }
0x73: {  	[spmem:s2] =	stream.indirect.scatter.add.f32 [tilespmem:s21], [sflag:$0x3], $0x80, s19, s20, $0xb8;
	[tilespmem:$0x1BE00] =	vst v63  }
0x74: {  	_ =	swait.ge [sflag:s18], $0x4000  }
0x75: {  	[sflag:s18] =	ssyncset.done $0x0  }
0x76: {  	[sflag:s18] =	ssyncadd.s32 $0xFFFFC000  }
0x77: {  	_ =	swait.ge [sflag:s25], $0x4000  }
0x78: {  	[sflag:s25] =	ssyncset.done $0x0  }
0x79: {  	[sflag:s25] =	ssyncadd.s32 $0xFFFFC000  }
0x7a: {  	[spmem:s2] =	stream.indirect.scatter.add.f32 [tilespmem:s23], [sflag:$0x3], $0x80, s22, s20, $0xb8;
	[tilespmem:$0x1BE00] =	vst v63  }
0x7b: {  	_ =	swait.ge [sflag:s18], $0x4000  }
0x7c: {  	s26 =	sadd.s32 $0x1, s26;
	[sflag:s18] =	ssyncset.done $0x0  }
0x7d: {  	p0 =	sne.s32 s26, s12;
	[sflag:s18] =	ssyncadd.s32 $0xFFFFC000  }
.Ltmp1:
0x7e: {  	[bflag:$0x0] =	sbarrier.arrive $0xFFFF;
	(pc) =	sbr.rel @p0 .LBB2_1-.Ltmp1, $4  }
0x7f: {  	[hbm:s11], [sflag:s6] =	dma.local [spmem:s17], $0x2780  }
0x80: {  	_ =	swait.ge [sflag:s18], $0x2780  }
0x81: {  	[sflag:s18] =	ssyncset.done $0x0  }
0x82: {  	[sflag:s18] =	ssyncadd.s32 $0xFFFFD880  }
0x83: {  	_ =	sfence.sel $0x180000  }
0x84: {  	[bflag:$0x0] =	sbarrier.arrive $0xFFFF  }
0x85: {  	p0 =	sne.s32 s1, $0x0;
	_ =	strace $0x9000004D  }
0x86: {  	s0 =	sadd.s32 @!p0 $0x100000, s0;
	[bflag:$0x2] =	sbarrier.arrive $0xFFFF  }
0x87: {  	[sflag:s0] =	ssyncadd.tile.s32 @!p0 $0x1;
	_ =	shalt  }
.Lfunc_end2:
_tile_overlayer_lowered:
.L_overlay_start_2:
0x88: {  	(tag) =	ssettag $0x2  }
0x89: {  	s0 =	rddreg [dreg:$0x0];
	s2 =	stileid.u32  }
0x8a: {  	s1 =	rddreg [dreg:$0x1];
	p0 =	sne.s32 s2, $0x0  }
0x8b: {  	s3 =	rddreg [dreg:$0x2];
	[bflag:$0x3] =	sbarrier.arrive $0xFFFF;
	s2 =	simm.s32 @!p0 $0x1C03  }
0x8c: {  	[timem:s3], [sflag:s2] =	dma.local @!p0 [hbm:s0], s1  }
0x8d: {  	s0 =	simm.s32 @!p0 $0x3  }
0x8e: {  	_ =	swait.ge @!p0 [sflag:s0], s1  }
0x8f: {  	s1 =	ssub.s32 @!p0 $0x0, s1;
	[sflag:s0] =	ssyncset.done @!p0 $0x0  }
0x90: {  	[sflag:s0] =	ssyncadd.s32 @!p0 s1  }
0x91: {  	[bflag:$0x3] =	sbarrier.arrive $0xFFFF  }
0x92: {  	_ =	shalt  }

// kernel: kernel.8.cloned.1.call-start
scs
__scs_entry_jumppad:
0x0: {  	(pc) =	sbr.rel $0x88, $3  }
0x1: {  	(tag) =	ssettag $0x0;
	lr =	simm.s32 $0x1  }
0x2: {  	[smem:$0x3F95] =	sst lr;
	_ =	strace $0xD0000000  }
0x3: {  	_ = 	snop  }
0x4: {  	_ = 	snop  }
0x5: {  	_ = 	snop  }
0x6: {  	_ = 	snop  }
0x7: {  	_ = 	snop  }
__scs_overlays_trampoline_lowered:
0x8: {  	[smem:$0x3FA4] =	sst s0  }
0x9: {  	[smem:$0x3FA5] =	sst s1  }
0xa: {  	[smem:$0x3FA6] =	sst s2  }
0xb: {  	[smem:$0x3FA7] =	sst s3  }
0xc: {  	[smem:$0x3FA8] =	sst s4  }
0xd: {  	[smem:$0x3FA9] =	sst s5  }
0xe: {  	[smem:$0x3FAA] =	sst s6  }
0xf: {  	[smem:$0x3FAB] =	sst s7  }
0x10: {  	[smem:$0x3FAC] =	sst s8  }
0x11: {  	[smem:$0x3FAD] =	sst s9;
	s0 =	simm.s32 @!p0 $0x0  }
0x12: {  	s1 =	sld [smem:$0x3F93];
	s0 =	simm.s32 @p0 $0x1  }
0x13: {  	[smem:$0x3FAE] =	sst s0;
	s0 =	simm.s32 @!p1 $0x0  }
0x14: {  	s2 =	sld [smem:$0x3F92];
	s0 =	simm.s32 @p1 $0x1  }
0x15: {  	[smem:$0x3FAF] =	sst s0;
	s0 =	simm.s32 @!p2 $0x0  }
0x16: {  	s3 =	sld [smem:$0x3FDB];
	s0 =	simm.s32 @p2 $0x1  }
0x17: {  	s4 =	simm.s32 $0x1BF5;
	[smem:$0x3FB1] =	sst s0  }
0x18: {  	s0 =	sld [smem:$0x3F94];
	_ =	swait.ge [sflag:s4], $0x0  }
0x19: {  	s7 =	sld [smem:$0x3F95]  }
0x1a: {  	s8 =	sadd.s32 $0xFFFFE003, lr  }
0x1b: {  	s9 =	sadd.s32 $0xFFFFFEF7, lr;
	s5 =	simm.s32 $0xFFFFFFFF;
	p2 =	slt.u32 s8, $0xFFFFF086  }
0x1c: {  	p1 =	slt.u32 s9, $0xF7A;
	s5 =	simm.s32 @!p2 $0x0  }
0x1d: {  	s5 =	simm.s32 @p1 $0x1;
	p0 =	seq.s32 s7, s2  }
0x1e: {  	s7 =	smul.u32 @!p0 $0xF7A, s2;
	p2 =	seq.s32 @!p0 s5, $0x0  }
0x1f: {  	s9 =	smul.u32 $0xF7A, s1;
	s8 =	simm.s32 @!p0 $0x1BF5;
	p2 =	por !p2, p0  }
0x20: {  	[sflag:s8] =	ssyncset.s32 @!p0 $0xFFFFF086;
	s6 =	sadd.s32 @!p0 s3, s7;
	s7 =	simm.s32 @!p0 $0x108  }
0x21: {  	s3 =	sadd.s32 s3, s9;
	s6 =	sadd.s32 @!p0 $0x88, s6;
	s7 =	simm.s32 @p2 $0x1082  }
0x22: {  	[simem:s7], [sflag:s8] =	dma.local @!p0 [hbm:s6], $0xF7A  }
0x23: {  	s9 =	sor.u32 $0xD0000000, s2;
	s6 =	simm.s32 $0x108;
	_ =	swait.ge @!p0 [sflag:s8], $0x0  }
0x24: {  	s3 =	sadd.s32 $0x88, s3;
	s6 =	simm.s32 @!p1 $0x1082;
	[sflag:s4] =	ssyncset.s32 $0xFFFFF086  }
0x25: {  	[simem:s6], [sflag:s4] =	dma.local [hbm:s3], $0xF7A  }
0x26: {  	[smem:$0x3F95] =	sst s1;
	(tag) =	ssettag s2;
	_ =	strace s9  }
0x27: {  	s1 =	sld [smem:$0x3FA5]  }
0x28: {  	s2 =	sld [smem:$0x3FA6]  }
0x29: {  	s4 =	sld [smem:$0x3FA8]  }
0x2a: {  	p0 =	seq.s32 s5, $0x0;
	s5 =	sld [smem:$0x3FA9]  }
0x2b: {  	s6 =	sld [smem:$0x3FAA]  }
0x2c: {  	s7 =	sld [smem:$0x3FAB]  }
0x2d: {  	s3 =	simm.s32 $0x108;
	s8 =	sld [smem:$0x3FAC]  }
0x2e: {  	s3 =	simm.s32 @!p0 $0x1082;
	s9 =	sld [smem:$0x3FAD]  }
0x2f: {  	lr =	sadd.s32 s0, s3;
	s0 =	sld [smem:$0x3FA4]  }
0x30: {  	s3 =	sld [smem:$0x3FA7]  }
0x31: {  	[smem:$0x3FB0] =	sst s10  }
0x32: {  	s10 =	sld [smem:$0x3FAE];
	_ =	sdelay $0x3  }
0x33: {  	p0 =	seq.s32 s10, $0x1;
	s10 =	sld [smem:$0x3FB0];
	_ =	sdelay $0x3  }
0x34: {  	[smem:$0x3FB0] =	sst s10  }
0x35: {  	s10 =	sld [smem:$0x3FAF];
	_ =	sdelay $0x3  }
0x36: {  	p1 =	seq.s32 s10, $0x1;
	s10 =	sld [smem:$0x3FB0];
	_ =	sdelay $0x3  }
0x37: {  	[smem:$0x3FB0] =	sst s10  }
0x38: {  	s10 =	sld [smem:$0x3FB1]  }
0x39: {  	_ = 	snop;
	(pc) =	sbr.ind lr, $3  }
0x3a: {  	_ = 	snop  }
0x3b: {  	_ = 	snop  }
0x3c: {  	p2 =	seq.s32 s10, $0x1;
	s10 =	sld [smem:$0x3FB0]  }
0x3d: {  	_ =	shalt  }
0x3e: {  	_ =	shalt  }
0x3f: {  	_ =	shalt  }
0x40: {  	_ =	shalt  }
0x41: {  	_ =	shalt  }
0x42: {  	_ =	shalt  }
0x43: {  	_ =	shalt  }
0x44: {  	_ =	shalt  }
0x45: {  	_ =	shalt  }
0x46: {  	_ =	shalt  }
0x47: {  	_ =	shalt  }
0x48: {  	_ =	shalt  }
0x49: {  	_ =	shalt  }
0x4a: {  	_ =	shalt  }
0x4b: {  	_ =	shalt  }
0x4c: {  	_ =	shalt  }
0x4d: {  	_ =	shalt  }
0x4e: {  	_ =	shalt  }
0x4f: {  	_ =	shalt  }
0x50: {  	_ =	shalt  }
0x51: {  	_ =	shalt  }
0x52: {  	_ =	shalt  }
0x53: {  	_ =	shalt  }
0x54: {  	_ =	shalt  }
0x55: {  	_ =	shalt  }
0x56: {  	_ =	shalt  }
0x57: {  	_ =	shalt  }
0x58: {  	_ =	shalt  }
0x59: {  	_ =	shalt  }
0x5a: {  	_ =	shalt  }
0x5b: {  	_ =	shalt  }
0x5c: {  	_ =	shalt  }
0x5d: {  	_ =	shalt  }
0x5e: {  	_ =	shalt  }
0x5f: {  	_ =	shalt  }
0x60: {  	_ =	shalt  }
0x61: {  	_ =	shalt  }
0x62: {  	_ =	shalt  }
0x63: {  	_ =	shalt  }
0x64: {  	_ =	shalt  }
0x65: {  	_ =	shalt  }
0x66: {  	_ =	shalt  }
0x67: {  	_ =	shalt  }
0x68: {  	_ =	shalt  }
0x69: {  	_ =	shalt  }
0x6a: {  	_ =	shalt  }
0x6b: {  	_ =	shalt  }
0x6c: {  	_ =	shalt  }
0x6d: {  	_ =	shalt  }
0x6e: {  	_ =	shalt  }
0x6f: {  	_ =	shalt  }
0x70: {  	_ =	shalt  }
0x71: {  	_ =	shalt  }
0x72: {  	_ =	shalt  }
0x73: {  	_ =	shalt  }
0x74: {  	_ =	shalt  }
0x75: {  	_ =	shalt  }
0x76: {  	_ =	shalt  }
0x77: {  	_ =	shalt  }
0x78: {  	_ =	shalt  }
0x79: {  	_ =	shalt  }
0x7a: {  	_ =	shalt  }
0x7b: {  	_ =	shalt  }
0x7c: {  	_ =	shalt  }
0x7d: {  	_ =	shalt  }
0x7e: {  	_ =	shalt  }
0x7f: {  	_ =	shalt  }
0x80: {  	_ =	shalt  }
0x81: {  	_ =	shalt  }
0x82: {  	_ =	shalt  }
0x83: {  	_ =	shalt  }
0x84: {  	_ =	shalt  }
0x85: {  	_ =	shalt  }
0x86: {  	_ =	shalt  }
0x87: {  	_ =	shalt  }
.Lfunc_end0:
.L_simem_size_0:
called_computation_lowered:
.L_overlay_start_0:
0x88: {  	s2 =	sld [smem:$0x3FD9]  }
0x89: {  	s3 =	sld [smem:$0x3FFE];
	_ =	sdelay $0x1  }
0x8a: {  	s1 =	srdreg.scid  }
0x8b: {  	s0 =	sand.u32 $0x1, s1  }
0x8c: {  	s17 =	sshll.u32 s0, $0xA;
	s2 =	sadd.s32 s3, s2  }
0x8d: {  	s2 =	sadd.s32 s2, s17  }
0x8e: {  	[smem:$0x3FBC] =	sst s2  }
0x8f: {  	_ = 	snop  }
0x90: {  	s2 =	sld [smem:$0x3FD0];
	(tm) =	ssettm $0x1  }
0x91: {  	s18 =	sld [smem:$0x3FFB];
	_ =	sdelay $0x3  }
0x92: {  	_ =	strace s18  }
0x93: {  	s3 =	sld [smem:$0x3FFC];
	_ =	sdelay $0x3  }
0x94: {  	_ =	strace s3  }
0x95: {  	s3 =	sld [smem:$0x3FFD];
	_ =	sdelay $0x3  }
0x96: {  	_ =	strace s3  }
0x97: {  	_ =	strace $0x8FFFFFFF  }
0x98: {  	s19 =	sld [smem:$0x3FDB];
	_ =	sdelay $0x1  }
0x99: {  	s4 =	simm.s32 $_scs_section_size  }
0x9a: {  	s5 =	simm.s32 $_size__tile_overlayer_lowered;
	s6 =	simm.s32 $_tile_overlayer_lowered  }
0x9b: {  	s22 =	simm.s32 $0x1BFF;
	s21 =	sshll.u32 s6, $0x1;
	s3 =	sadd.s32 s4, s19  }
0x9c: {  	s7 =	simm.s32 $0x0;
	s20 =	sshll.u32 s5, $0x1;
	s5 =	sadd.s32 s21, s3  }
0x9d: {  	[timem:s7], [sflag:s22] =	dma.local [hbm:s5], s20  }
0x9e: {  	_ =	swait.ge [sflag:s22], s20  }
0x9f: {  	s4 =	ssub.s32 $0x0, s20;
	[sflag:s22] =	ssyncset.done $0x0  }
0xa0: {  	[sflag:s22] =	ssyncadd.s32 s4;
	_ =	sdelay $0x1  }
0xa1: {  	s23 =	simm.s32 $0x1B8B  }
0xa2: {  	_ =	swait.ge [sflag:s23], $0x1  }
0xa3: {  	[sflag:s23] =	ssyncset.done $0x0  }
0xa4: {  	s25 =	simm.s32 $0x1B8E;
	s24 =	sld [smem:$0x3FFE];
	[sflag:s23] =	ssyncadd.s32 $0xFFFFFFFF  }
0xa5: {  	s26 =	simm.s32 $execute0_lowered;
	[smem:$0x3FD2] =	sst s25  }
0xa6: {  	s5 =	sshll.u32 s26, $0x1;
	_ =	strace $0x80000046;
	[dreg:$0x1] =	wrdreg $0xFFFFFFFF  }
0xa7: {  	s28 =	simm.s32 $_size_execute0_lowered;
	s3 =	sadd.s32 s3, s5;
	[dreg:$0x0] =	wrdreg $0x0  }
0xa8: {  	s5 =	sshll.u32 s28, $0x1;
	[dreg:$0x2] =	wrdreg s3  }
0xa9: {  	[dreg:$0x3] =	wrdreg s5  }
0xaa: {  	[dreg:$0x4] =	wrdreg $0xC0  }
0xab: {  	_ =	task [dreg:s7], $0x5FFFF  }
0xac: {  	[dreg:$0x1] =	wrdreg $0xFFFFFFFF  }
0xad: {  	[dreg:$0x0] =	wrdreg $0x60  }
0xae: {  	[dreg:$0x2] =	wrdreg s24  }
0xaf: {  	[dreg:$0x3] =	wrdreg s2  }
0xb0: {  	[dreg:$0x4] =	wrdreg $0x41000  }
0xb1: {  	[dreg:$0x5] =	wrdreg $0x9  }
0xb2: {  	_ =	task.clear_ibuf [dreg:s7], $0x6FFFF;
	_ =	strace $0x90000046  }
0xb3: {  	s29 =	simm.s32 $0x9;
	_ =	strace $0x80000048  }
0xb4: {  	_ =	swait.ge [sflag:s29], $0x1  }
0xb5: {  	[sflag:s29] =	ssyncadd.s32 $0xFFFFFFFF  }
0xb6: {  	_ =	strace $0x90000048  }
0xb7: {  	_ =	sfence  }
0xb8: {  	s30 =	sld [smem:$0x0];
	_ =	sdelay $0x2  }
0xb9: {  	s31 =	sshll.u32 s1, $0xD;
	s1 =	sshrl.u32 s1, $0x2  }
0xba: {  	s3 =	sand.u32 $0x4000, s31;
	s1 =	sadd.s32 s1, s30  }
0xbb: {  	s0 =	sor.u32 s3, s0;
	s1 =	sshll.u32 s1, $0x11  }
0xbc: {  	s0 =	sor.u32 s1, s0  }
0xbd: {  	s0 =	sadd.s32 $0x8F2B, s0  }
0xbe: {  	[sflag:s0] =	ssyncadd.remote.s32 $0x1  }
0xbf: {  	_ =	sfence.sel $0xFFFF  }
0xc0: {  	[dreg:$0x0] =	wrdreg $0xFFFFFFFF;
	(pc) =	sbr.abs _section_cstart, $3  }
0xc1: {  	[dreg:$0x1] =	wrdreg $0xFFFFFFFF  }
0xc2: {  	_ =	task.clear_ibuf [dreg:s7], $0x2FFFF;
	_ =	strace $0x9FFFFFFF  }
0xc3: {  	(tm) =	ssettm $0x7FFFFFFF  }
tec
execute0_lowered:
.L_overlay_start_1:
0x0: {  	(tag) =	ssettag $0x1  }
0x1: {  	s5 =	rddreg [dreg:$0x0]  }
0x2: {  	s2 =	rddreg [dreg:$0x1]  }
0x3: {  	s3 =	rddreg [dreg:$0x2]  }
0x4: {  	s0 =	rddreg [dreg:$0x3]  }
0x5: {  	s1 =	stileid.u32;
	s6 =	srdreg.scid  }
0x6: {  	s4 =	simm.s32 $0x0;
	s16 =	simm.s32 $0x80;
	s17 =	simm.s32 $0x1  }
0x7: {  	s18 =	simm.s32 $0x2;
	s19 =	simm.s32 $0x0;
	s7 =	smul.u32 $0x13C00, s1  }
0x8: {  	s6 =	sand.u32 $0x1, s6;
	[smem:$0x7FF] =	sst s4;
	s11 =	smul.u32 $0x4F000, s1  }
0x9: {  	s12 =	sadd.s32 $0x2C00, s5;
	s29 =	smul.u32 $0x2800, s1;
	s30 =	sshll.u32 s1, $0x6  }
0xa: {  	s8 =	smul.u32 $0x13C000, s6;
	_ =	strace $0x80000047;
	s22 =	sshll.u32 s6, $0x4  }
0xb: {  	s10 =	ssub.s32 $0x2, s6;
	s26 =	smul.u32 $0x28000, s6;
	s9 =	sshrl.u32 s7, $0x3  }
0xc: {  	s23 =	sshrl.u32 s10, $0x1;
	s25 =	sshrl.u32 s11, $0x2;
	s7 =	sadd.s32 s7, s8  }
0xd: {  	s21 =	sadd.s32 s9, s5;
	s9 =	sor.u32 s1, s22;
	s10 =	ssub.s32 s10, s23  }
0xe: {  	s14 =	sadd.s32 s25, s3;
	s11 =	sadd.s32 s29, s26;
	s7 =	sshrl.u32 s7, $0x3  }
0xf: {  	s24 =	smul.u32 $0x2800, s9;
	s31 =	sor.u32 $0x180, s11;
	s11 =	sor.u32 $0x100, s11  }
0x10: {  	s10 =	smax.u32 s10, $0x1;
	s13 =	sadd.s32 s7, s5;
	s5 =	sadd.s32 $0xCC00, s21  }
0x11: {  	s7 =	sor.u32 $0x1C03, s30;
	s15 =	sshrl.u32 s11, $0x3;
	s28 =	sshrl.u32 s24, $0x3  }
0x12: {  	s9 =	sadd.s32 $0x34400, s13;
	s13 =	sshrl.u32 s31, $0x3;
	s6 =	sadd.s32 s12, s28  }
0x13: {  	s11 =	sadd.s32 s13, s12;
	s12 =	sadd.s32 s15, s12;
	s13 =	sshrl.u32 s14, $0x3  }
0x14: {  	s14 =	simm.s32 $0x3;
	s15 =	simm.s32 $0x100;
	s8 =	sadd.s32 $0x10, s6  }
.LBB2_1:
0x15: {  	[spmem:s13], [sflag:s7] =	dma.local [hbm:s5], $0x2780  }
0x16: {  	_ =	swait.ge [sflag:s14], $0x2780  }
0x17: {  	[sflag:s14] =	ssyncset.done $0x0  }
0x18: {  	[sflag:s14] =	ssyncadd.s32 $0xFFFFD880  }
0x19: {  	[tilespmem:s15], [sflag:$0x3] =	stream.linear.gather [hbm4b:s2+s4], $0x4000, $0x38;
	[tilespmem:$0x17D00] =	vst v63  }
0x1a: {  	_ =	swait.ge [sflag:s14], $0x4000  }
0x1b: {  	[sflag:s14] =	ssyncset.done $0x0  }
0x1c: {  	[sflag:s14] =	ssyncadd.s32 $0xFFFFC000  }
0x1d: {  	[tilespmem:s4], [sflag:$0x1] =	stream.linear.gather [hbm4b:s6+s4], $0x80, $0x38;
	[tilespmem:$0x17D00] =	vst v63  }
0x1e: {  	_ = 	snop  }
0x1f: {  	[tilespmem:s16], [sflag:$0x2] =	stream.linear.gather [hbm4b:s8+s4], $0x80, $0x38;
	[tilespmem:$0x17D00] =	vst v63  }
0x20: {  	[bflag:$0x0] =	sbarrier.arrive $0xFFFF  }
0x21: {  	_ =	swait.ge [sflag:s17], $0x80  }
0x22: {  	[sflag:s17] =	ssyncset.done $0x0  }
0x23: {  	[sflag:s17] =	ssyncadd.s32 $0xFFFFFF80  }
0x24: {  	[spmem:s3] =	stream.indirect.scatter.add.f32 [tilespmem:s15], [sflag:$0x3], $0x80, s4, s16, $0xb8;
	[tilespmem:$0x17D00] =	vst v63  }
0x25: {  	_ =	swait.ge [sflag:s14], $0x4000  }
0x26: {  	[sflag:s14] =	ssyncset.done $0x0  }
0x27: {  	s20 =	sadd.s32 $0x0, s12;
	[sflag:s14] =	ssyncadd.s32 $0xFFFFC000  }
0x28: {  	[tilespmem:s4], [sflag:$0x1] =	stream.linear.gather [hbm4b:s20+s4], $0x80, $0x38;
	[tilespmem:$0x17D00] =	vst v63  }
0x29: {  	_ =	swait.ge [sflag:s18], $0x80  }
0x2a: {  	[sflag:s18] =	ssyncset.done $0x0  }
0x2b: {  	[sflag:s18] =	ssyncadd.s32 $0xFFFFFF80  }
0x2c: {  	[spmem:s3] =	stream.indirect.scatter.add.f32 [tilespmem:s15], [sflag:$0x3], $0x80, s16, s16, $0xb8;
	[tilespmem:$0x17D00] =	vst v63  }
0x2d: {  	_ =	swait.ge [sflag:s14], $0x4000  }
0x2e: {  	[sflag:s14] =	ssyncset.done $0x0  }
0x2f: {  	s21 =	sadd.s32 $0x0, s11;
	s20 =	simm.s32 $0x20;
	[sflag:s14] =	ssyncadd.s32 $0xFFFFC000  }
.LBB2_2:
0x30: {  	[tilespmem:s16], [sflag:$0x2] =	stream.linear.gather [hbm4b:s21+s4], $0x80, $0x38;
	[tilespmem:$0x17D00] =	vst v63  }
0x31: {  	s21 =	smov.u32 s20  }
0x32: {  	p0 =	sne.s32 s20, $0x4C0;
	s20 =	sadd.s32 $0x20, s20;
	_ =	swait.ge [sflag:s17], $0x80  }
0x33: {  	[sflag:s17] =	ssyncset.done $0x0  }
0x34: {  	[sflag:s17] =	ssyncadd.s32 $0xFFFFFF80  }
0x35: {  	[spmem:s3] =	stream.indirect.scatter.add.f32 [tilespmem:s15], [sflag:$0x3], $0x80, s4, s16, $0xb8;
	[tilespmem:$0x17D00] =	vst v63  }
0x36: {  	_ =	swait.ge [sflag:s14], $0x4000  }
0x37: {  	[sflag:s14] =	ssyncset.done $0x0  }
0x38: {  	s22 =	sadd.s32 s21, s12;
	[sflag:s14] =	ssyncadd.s32 $0xFFFFC000  }
0x39: {  	[tilespmem:s4], [sflag:$0x1] =	stream.linear.gather [hbm4b:s22+s4], $0x80, $0x38;
	[tilespmem:$0x17D00] =	vst v63  }
0x3a: {  	_ =	swait.ge [sflag:s18], $0x80  }
0x3b: {  	[sflag:s18] =	ssyncset.done $0x0  }
.Ltmp0:
0x3c: {  	[sflag:s18] =	ssyncadd.s32 $0xFFFFFF80;
	(pc) =	sbr.rel @p0 .LBB2_2-.Ltmp0, $4  }
0x3d: {  	[spmem:s3] =	stream.indirect.scatter.add.f32 [tilespmem:s15], [sflag:$0x3], $0x80, s16, s16, $0xb8;
	[tilespmem:$0x17D00] =	vst v63  }
0x3e: {  	_ =	swait.ge [sflag:s14], $0x4000  }
0x3f: {  	[sflag:s14] =	ssyncset.done $0x0  }
0x40: {  	s21 =	sadd.s32 s21, s11;
	[sflag:s14] =	ssyncadd.s32 $0xFFFFC000  }
0x41: {  	[tilespmem:s16], [sflag:$0x2] =	stream.linear.gather [hbm4b:s21+s4], $0x80, $0x38;
	[tilespmem:$0x17D00] =	vst v63  }
0x42: {  	_ =	swait.ge [sflag:s17], $0x80  }
0x43: {  	[sflag:s17] =	ssyncset.done $0x0  }
0x44: {  	[sflag:s17] =	ssyncadd.s32 $0xFFFFFF80  }
0x45: {  	[spmem:s3] =	stream.indirect.scatter.add.f32 [tilespmem:s15], [sflag:$0x3], $0x80, s4, s16, $0xb8;
	[tilespmem:$0x17D00] =	vst v63  }
0x46: {  	_ =	swait.ge [sflag:s14], $0x4000  }
0x47: {  	[sflag:s14] =	ssyncset.done $0x0  }
0x48: {  	[sflag:s14] =	ssyncadd.s32 $0xFFFFC000  }
0x49: {  	_ =	swait.ge [sflag:s18], $0x80  }
0x4a: {  	[sflag:s18] =	ssyncset.done $0x0  }
0x4b: {  	[sflag:s18] =	ssyncadd.s32 $0xFFFFFF80  }
0x4c: {  	[spmem:s3] =	stream.indirect.scatter.add.f32 [tilespmem:s15], [sflag:$0x3], $0x80, s16, s16, $0xb8;
	[tilespmem:$0x17D00] =	vst v63  }
0x4d: {  	_ =	swait.ge [sflag:s14], $0x4000  }
0x4e: {  	s19 =	sadd.s32 $0x1, s19;
	[sflag:s14] =	ssyncset.done $0x0  }
0x4f: {  	p0 =	sne.s32 s19, s10;
	[sflag:s14] =	ssyncadd.s32 $0xFFFFC000  }
.Ltmp1:
0x50: {  	[bflag:$0x0] =	sbarrier.arrive $0xFFFF;
	(pc) =	sbr.rel @p0 .LBB2_1-.Ltmp1, $4  }
0x51: {  	[hbm:s9], [sflag:s7] =	dma.local [spmem:s13], $0x2780  }
0x52: {  	_ =	swait.ge [sflag:s14], $0x2780  }
0x53: {  	[sflag:s14] =	ssyncset.done $0x0  }
0x54: {  	[sflag:s14] =	ssyncadd.s32 $0xFFFFD880  }
0x55: {  	_ =	sfence.sel $0x180000  }
0x56: {  	[bflag:$0x0] =	sbarrier.arrive $0xFFFF  }
0x57: {  	p0 =	sne.s32 s1, $0x0;
	_ =	strace $0x90000047  }
0x58: {  	s0 =	sadd.s32 @!p0 $0x100000, s0;
	[bflag:$0x2] =	sbarrier.arrive $0xFFFF  }
0x59: {  	[sflag:s0] =	ssyncadd.tile.s32 @!p0 $0x1;
	_ =	shalt  }
.Lfunc_end2:
_tile_overlayer_lowered:
.L_overlay_start_2:
0x5a: {  	(tag) =	ssettag $0x2  }
0x5b: {  	s0 =	rddreg [dreg:$0x0];
	s2 =	stileid.u32  }
0x5c: {  	s1 =	rddreg [dreg:$0x1];
	p0 =	sne.s32 s2, $0x0  }
0x5d: {  	s3 =	rddreg [dreg:$0x2];
	[bflag:$0x3] =	sbarrier.arrive $0xFFFF;
	s2 =	simm.s32 @!p0 $0x1C03  }
0x5e: {  	[timem:s3], [sflag:s2] =	dma.local @!p0 [hbm:s0], s1  }
0x5f: {  	s0 =	simm.s32 @!p0 $0x3  }
0x60: {  	_ =	swait.ge @!p0 [sflag:s0], s1  }
0x61: {  	s1 =	ssub.s32 @!p0 $0x0, s1;
	[sflag:s0] =	ssyncset.done @!p0 $0x0  }
0x62: {  	[sflag:s0] =	ssyncadd.s32 @!p0 s1  }
0x63: {  	[bflag:$0x3] =	sbarrier.arrive $0xFFFF  }
0x64: {  	_ =	shalt  }

</sc_bundles>
